<compile_context>
chip_gen: v7x
topology: tpu7x:2x2x1
jax: 0.10.2.dev20260603
libtpu: 0.0.44.dev20260713+nightly
codegen_flags: <defaults>
</compile_context>

<pallas_src>
import functools

import jax
import jax.numpy as jnp
from jax import lax
from jax.experimental import pallas as pl
from jax.experimental.pallas import tpu as pltpu
from jax.experimental.pallas import tpu_sc as plsc

_VOCAB = 1000000
_EMBED_DIM = 32
_BATCH = 16384
_FIELDS = 26
_N_TOTAL = _BATCH * _FIELDS
_NC, _NS = 2, 16
_NW = _NC * _NS

_mesh = plsc.VectorSubcoreMesh(core_axis_name="c", subcore_axis_name="s")

_VB = 8192
_GRID = -(-_VOCAB // _VB)
_ROWS128 = (_VB // 4) * _GRID


def _repack_body(in_ref, out_ref):
    x = in_ref[...]
    eye = (lax.broadcasted_iota(jnp.int32, (32, 32), 0)
           == lax.broadcasted_iota(jnp.int32, (32, 32), 1)
           ).astype(jnp.float32)
    t = lax.dot_general(x, eye, (((0,), (0,)), ((), ())),
                        preferred_element_type=jnp.float32)
    q = _VB // 4
    for k in range(4):
        out_ref[:, pl.ds(32 * k, 32)] = lax.slice(
            t, (q * k, 0), (q * k + q, 32))


_repack_tc = pl.pallas_call(
    _repack_body,
    grid=(_GRID,),
    in_specs=[pl.BlockSpec((32, _VB), lambda i: (0, i))],
    out_specs=pl.BlockSpec((_VB // 4, 128), lambda i: (i, 0)),
    out_shape=jax.ShapeDtypeStruct((_ROWS128, 128), jnp.float32),
)

_PER_W = _N_TOTAL // _NW
_CHUNK = 1664
_N_CHUNKS = _PER_W // _CHUNK


@functools.partial(
    pl.kernel,
    mesh=_mesh,
    out_type=jax.ShapeDtypeStruct((_N_TOTAL, _EMBED_DIM), jnp.float32),
    scratch_types=[
        pltpu.VMEM((_PER_W,), jnp.int32),
        pltpu.VMEM((2, _CHUNK, _EMBED_DIM), jnp.float32),
        pltpu.SemaphoreType.DMA,
        pltpu.SemaphoreType.DMA,
        pltpu.SemaphoreType.DMA,
        pltpu.SemaphoreType.DMA,
    ],
    compiler_params=pltpu.CompilerParams(use_tc_tiling_on_sc=False),
)
def _gather(idx_hbm, table_hbm, out_hbm, idx_v, rows_v, sg0, sg1, ss0, ss1):
    wid = lax.axis_index("s") * _NC + lax.axis_index("c")
    base = wid * _PER_W
    sem_g = (sg0, sg1)
    sem_s = (ss0, ss1)

    pltpu.sync_copy(idx_hbm.at[pl.ds(base, _PER_W)], idx_v)

    def fix(i, carry):
        for u in range(4):
            off = 64 * i + 16 * u
            v = idx_v[pl.ds(off, 16)]
            r = ((v >> 13) << 13) + ((v & 2047) << 2) + ((v >> 11) & 3)
            idx_v[pl.ds(off, 16)] = r
        return carry

    lax.fori_loop(0, _PER_W // 64, fix, 0)

    gathers = [None] * _N_CHUNKS
    stores = [None] * _N_CHUNKS

    def start_gather(c):
        slot = c & 1
        g = pltpu.make_async_copy(
            table_hbm.at[idx_v.at[pl.ds(c * _CHUNK, _CHUNK)]],
            rows_v.at[slot], sem_g[slot])
        g.start()
        gathers[c] = g

    def start_store(c):
        slot = c & 1
        s = pltpu.make_async_copy(
            rows_v.at[slot],
            out_hbm.at[pl.ds(base + c * _CHUNK, _CHUNK)], sem_s[slot])
        s.start()
        stores[c] = s

    for c in range(_N_CHUNKS):
        if c >= 2:
            stores[c - 2].wait()
        start_gather(c)
        if c >= 1:
            gathers[c - 1].wait()
            start_store(c - 1)
    gathers[_N_CHUNKS - 1].wait()
    start_store(_N_CHUNKS - 1)
    stores[_N_CHUNKS - 2].wait()
    stores[_N_CHUNKS - 1].wait()


def kernel(inputs, embedding):
    emb_t = embedding.T
    tlin = _repack_tc(emb_t)
    table = tlin.reshape(_ROWS128 * 4, _EMBED_DIM)
    flat_idx = inputs.T.reshape(-1)
    out = _gather(flat_idx, table)
    return out.reshape(_FIELDS, _BATCH, _EMBED_DIM).transpose(1, 0, 2)

# --- scband reference (transcript-rebuilt; emitter-appended) ---
"""Pipeline reference for scband-embedding-37692632989767 (READ-ONLY COPY).

The authoritative reference and input builder live on the scoring server;
editing this copy changes nothing except your own understanding.
"""

import jax, jax.numpy as jnp
import numpy as np

VOCAB = 1000000
EMBED_DIM = 32
BATCH = 16384
FIELDS = 26


def setup_inputs(seed: int = 0) -> dict:
    key = jax.random.key(seed)
    k_idx, k_emb = jax.random.split(key)
    inputs = jax.random.randint(k_idx, (BATCH, FIELDS), 0, VOCAB, dtype=jnp.int64 if jax.config.jax_enable_x64 else jnp.int32)
    embedding = jax.random.uniform(k_emb, (VOCAB, EMBED_DIM), dtype=jnp.float32, minval=-0.05, maxval=0.05)
    return {"inputs": inputs, "embedding": embedding}


def reference(inputs, embedding):
    # tf.nn.embedding_lookup(embedding, inputs) -> gather rows
    return jnp.take(embedding, inputs, axis=0)

if __name__ == "__main__":
    import jax
    _d = setup_inputs()
    print(jax.jit(kernel)(*tuple(_d.values())))

</pallas_src>

<mosaic_0001>
#map = affine_map<(d0, d1) -> (0)>
#map1 = affine_map<(d0, d1) -> (0, 0)>
module attributes {stable_mosaic.version = 14 : i64} {
  func.func @_gather(%arg0: i32, %arg1: i32, %arg2: memref<425984xi32, #tpu.memory_space<hbm>>, %arg3: memref<1007616x32xf32, #tpu.memory_space<hbm>>, %arg4: memref<425984x32xf32, #tpu.memory_space<hbm>>, %arg5: memref<13312xi32, #tpu.memory_space<vmem>>, %arg6: memref<2x1664x32xf32, #tpu.memory_space<vmem>>, %arg7: memref<!tpu.dma_semaphore, #tpu.memory_space<semaphore_mem>>, %arg8: memref<!tpu.dma_semaphore, #tpu.memory_space<semaphore_mem>>, %arg9: memref<!tpu.dma_semaphore, #tpu.memory_space<semaphore_mem>>, %arg10: memref<!tpu.dma_semaphore, #tpu.memory_space<semaphore_mem>>) attributes {dimension_semantics = [#tpu.dimension_semantics<core_parallel>, #tpu.dimension_semantics<subcore_parallel>], iteration_bounds = array<i64: 2, 16>, scalar_prefetch = 0 : i64, scratch_operands = 6 : i64, tpu.core_type = #tpu.core_type<sc_vector_subcore>, window_params = [{transform_indices = #map}, {transform_indices = #map1}, {transform_indices = #map1}]} {
    %mul3A = arith.constant 2 : i32
    %mul3A_0 = arith.muli %arg1, %mul3A : i32
    %add3A = arith.addi %mul3A_0, %arg0 : i32
    %mul3A_1 = arith.constant 13312 : i32
    %mul3A_2 = arith.muli %add3A, %mul3A_1 : i32
    "tpu.region"() ({
      %run_scoped3A = tpu.sem_alloc : memref<!tpu.dma_semaphore, #tpu.memory_space<semaphore_mem>>
      %dma_start3A_390 = tpu.memref_slice %arg2[%mul3A_2] : memref<425984xi32, #tpu.memory_space<hbm>> -> memref<13312xi32, #tpu.memory_space<hbm>>
      %dma_start3A_391 = tpu.memref_slice %arg2[%mul3A_2] : memref<425984xi32, #tpu.memory_space<hbm>> -> memref<13312xi32, #tpu.memory_space<hbm>>
      tpu.enqueue_dma source(%dma_start3A_391 : memref<13312xi32, #tpu.memory_space<hbm>>) target(%arg5 : memref<13312xi32, #tpu.memory_space<vmem>>) target_semaphore(%run_scoped3A : memref<!tpu.dma_semaphore, #tpu.memory_space<semaphore_mem>>)
      %dma_wait3A_392 = tpu.memref_slice %arg2[%mul3A_2] : memref<425984xi32, #tpu.memory_space<hbm>> -> memref<13312xi32, #tpu.memory_space<hbm>>
      %dma_wait3A_393 = tpu.memref_slice %arg2[%mul3A_2] : memref<425984xi32, #tpu.memory_space<hbm>> -> memref<13312xi32, #tpu.memory_space<hbm>>
      tpu.wait_dma2 semaphore(%run_scoped3A : memref<!tpu.dma_semaphore, #tpu.memory_space<semaphore_mem>>) src(%dma_wait3A_393 : memref<13312xi32, #tpu.memory_space<hbm>>) dst(%arg5 : memref<13312xi32, #tpu.memory_space<vmem>>)
      tpu.yield
    }) : () -> ()
    %scan3A = arith.constant 0 : i32
    %scan3A_3 = arith.constant 0 : i32
    %scan3A_4 = arith.constant 208 : i32
    %scan3A_5 = arith.addi %scan3A_3, %scan3A_4 : i32
    %scan3A_6 = arith.constant 1 : i32
    scf.for %scan3A_390 = %scan3A_3 to %scan3A_5 step %scan3A_6  : i32 {
      %mul3A_391 = arith.constant 64 : i32
      %mul3A_392 = arith.muli %mul3A_391, %scan3A_390 : i32
      %add3A_393 = arith.constant 0 : i32
      %add3A_394 = arith.addi %mul3A_392, %add3A_393 : i32
      %get3A = arith.index_cast %add3A_394 : i32 to index
      %get3A_395 = tpu.vector_load %arg5[%get3A] {strides = array<i32>} : memref<13312xi32, #tpu.memory_space<vmem>>, vector<16xi32>,
      %get3A_396 = vector.shape_cast %get3A_395 : vector<16xi32> to vector<16xi32>
      %shift_right_arithmetic3A = arith.constant 13 : i32
      %shift_right_arithmetic3A_397 = vector.broadcast %shift_right_arithmetic3A : i32 to vector<16xi32>
      %shift_right_arithmetic3A_398 = arith.shrsi %get3A_396, %shift_right_arithmetic3A_397 : vector<16xi32>
      %shift_left3A = arith.constant 13 : i32
      %shift_left3A_399 = vector.broadcast %shift_left3A : i32 to vector<16xi32>
      %shift_left3A_400 = arith.shli %shift_right_arithmetic3A_398, %shift_left3A_399 : vector<16xi32>
      %and3A = arith.constant 2047 : i32
      %and3A_401 = vector.broadcast %and3A : i32 to vector<16xi32>
      %and3A_402 = arith.andi %get3A_396, %and3A_401 : vector<16xi32>
      %shift_left3A_403 = arith.constant 2 : i32
      %shift_left3A_404 = vector.broadcast %shift_left3A_403 : i32 to vector<16xi32>
      %shift_left3A_405 = arith.shli %and3A_402, %shift_left3A_404 : vector<16xi32>
      %add3A_406 = arith.addi %shift_left3A_400, %shift_left3A_405 : vector<16xi32>
      %shift_right_arithmetic3A_407 = arith.constant 11 : i32
      %shift_right_arithmetic3A_408 = vector.broadcast %shift_right_arithmetic3A_407 : i32 to vector<16xi32>
      %shift_right_arithmetic3A_409 = arith.shrsi %get3A_396, %shift_right_arithmetic3A_408 : vector<16xi32>
      %and3A_410 = arith.constant 3 : i32
      %and3A_411 = vector.broadcast %and3A_410 : i32 to vector<16xi32>
      %and3A_412 = arith.andi %shift_right_arithmetic3A_409, %and3A_411 : vector<16xi32>
      %add3A_413 = arith.addi %add3A_406, %and3A_412 : vector<16xi32>
      %swap3A = arith.index_cast %add3A_394 : i32 to index
      %swap3A_414 = tpu.vector_load %arg5[%swap3A] {strides = array<i32>} : memref<13312xi32, #tpu.memory_space<vmem>>, vector<16xi32>,
      %swap3A_415 = vector.shape_cast %swap3A_414 : vector<16xi32> to vector<16xi32>
      %swap3A_416 = vector.shape_cast %add3A_413 : vector<16xi32> to vector<16xi32>
      tpu.vector_store %arg5[%swap3A], %swap3A_416 {strides = array<i32>} : memref<13312xi32, #tpu.memory_space<vmem>>, vector<16xi32>,
      %mul3A_417 = arith.constant 64 : i32
      %mul3A_418 = arith.muli %mul3A_417, %scan3A_390 : i32
      %add3A_419 = arith.constant 16 : i32
      %add3A_420 = arith.addi %mul3A_418, %add3A_419 : i32
      %get3A_421 = arith.index_cast %add3A_420 : i32 to index
      %get3A_422 = tpu.vector_load %arg5[%get3A_421] {strides = array<i32>} : memref<13312xi32, #tpu.memory_space<vmem>>, vector<16xi32>,
      %get3A_423 = vector.shape_cast %get3A_422 : vector<16xi32> to vector<16xi32>
      %shift_right_arithmetic3A_424 = arith.constant 13 : i32
      %shift_right_arithmetic3A_425 = vector.broadcast %shift_right_arithmetic3A_424 : i32 to vector<16xi32>
      %shift_right_arithmetic3A_426 = arith.shrsi %get3A_423, %shift_right_arithmetic3A_425 : vector<16xi32>
      %shift_left3A_427 = arith.constant 13 : i32
      %shift_left3A_428 = vector.broadcast %shift_left3A_427 : i32 to vector<16xi32>
      %shift_left3A_429 = arith.shli %shift_right_arithmetic3A_426, %shift_left3A_428 : vector<16xi32>
      %and3A_430 = arith.constant 2047 : i32
      %and3A_431 = vector.broadcast %and3A_430 : i32 to vector<16xi32>
      %and3A_432 = arith.andi %get3A_423, %and3A_431 : vector<16xi32>
      %shift_left3A_433 = arith.constant 2 : i32
      %shift_left3A_434 = vector.broadcast %shift_left3A_433 : i32 to vector<16xi32>
      %shift_left3A_435 = arith.shli %and3A_432, %shift_left3A_434 : vector<16xi32>
      %add3A_436 = arith.addi %shift_left3A_429, %shift_left3A_435 : vector<16xi32>
      %shift_right_arithmetic3A_437 = arith.constant 11 : i32
      %shift_right_arithmetic3A_438 = vector.broadcast %shift_right_arithmetic3A_437 : i32 to vector<16xi32>
      %shift_right_arithmetic3A_439 = arith.shrsi %get3A_423, %shift_right_arithmetic3A_438 : vector<16xi32>
      %and3A_440 = arith.constant 3 : i32
      %and3A_441 = vector.broadcast %and3A_440 : i32 to vector<16xi32>
      %and3A_442 = arith.andi %shift_right_arithmetic3A_439, %and3A_441 : vector<16xi32>
      %add3A_443 = arith.addi %add3A_436, %and3A_442 : vector<16xi32>
      %swap3A_444 = arith.index_cast %add3A_420 : i32 to index
      %swap3A_445 = tpu.vector_load %arg5[%swap3A_444] {strides = array<i32>} : memref<13312xi32, #tpu.memory_space<vmem>>, vector<16xi32>,
      %swap3A_446 = vector.shape_cast %swap3A_445 : vector<16xi32> to vector<16xi32>
      %swap3A_447 = vector.shape_cast %add3A_443 : vector<16xi32> to vector<16xi32>
      tpu.vector_store %arg5[%swap3A_444], %swap3A_447 {strides = array<i32>} : memref<13312xi32, #tpu.memory_space<vmem>>, vector<16xi32>,
      %mul3A_448 = arith.constant 64 : i32
      %mul3A_449 = arith.muli %mul3A_448, %scan3A_390 : i32
      %add3A_450 = arith.constant 32 : i32
      %add3A_451 = arith.addi %mul3A_449, %add3A_450 : i32
      %get3A_452 = arith.index_cast %add3A_451 : i32 to index
      %get3A_453 = tpu.vector_load %arg5[%get3A_452] {strides = array<i32>} : memref<13312xi32, #tpu.memory_space<vmem>>, vector<16xi32>,
      %get3A_454 = vector.shape_cast %get3A_453 : vector<16xi32> to vector<16xi32>
      %shift_right_arithmetic3A_455 = arith.constant 13 : i32
      %shift_right_arithmetic3A_456 = vector.broadcast %shift_right_arithmetic3A_455 : i32 to vector<16xi32>
      %shift_right_arithmetic3A_457 = arith.shrsi %get3A_454, %shift_right_arithmetic3A_456 : vector<16xi32>
      %shift_left3A_458 = arith.constant 13 : i32
      %shift_left3A_459 = vector.broadcast %shift_left3A_458 : i32 to vector<16xi32>
      %shift_left3A_460 = arith.shli %shift_right_arithmetic3A_457, %shift_left3A_459 : vector<16xi32>
      %and3A_461 = arith.constant 2047 : i32
      %and3A_462 = vector.broadcast %and3A_461 : i32 to vector<16xi32>
      %and3A_463 = arith.andi %get3A_454, %and3A_462 : vector<16xi32>
      %shift_left3A_464 = arith.constant 2 : i32
      %shift_left3A_465 = vector.broadcast %shift_left3A_464 : i32 to vector<16xi32>
      %shift_left3A_466 = arith.shli %and3A_463, %shift_left3A_465 : vector<16xi32>
      %add3A_467 = arith.addi %shift_left3A_460, %shift_left3A_466 : vector<16xi32>
      %shift_right_arithmetic3A_468 = arith.constant 11 : i32
      %shift_right_arithmetic3A_469 = vector.broadcast %shift_right_arithmetic3A_468 : i32 to vector<16xi32>
      %shift_right_arithmetic3A_470 = arith.shrsi %get3A_454, %shift_right_arithmetic3A_469 : vector<16xi32>
      %and3A_471 = arith.constant 3 : i32
      %and3A_472 = vector.broadcast %and3A_471 : i32 to vector<16xi32>
      %and3A_473 = arith.andi %shift_right_arithmetic3A_470, %and3A_472 : vector<16xi32>
      %add3A_474 = arith.addi %add3A_467, %and3A_473 : vector<16xi32>
      %swap3A_475 = arith.index_cast %add3A_451 : i32 to index
      %swap3A_476 = tpu.vector_load %arg5[%swap3A_475] {strides = array<i32>} : memref<13312xi32, #tpu.memory_space<vmem>>, vector<16xi32>,
      %swap3A_477 = vector.shape_cast %swap3A_476 : vector<16xi32> to vector<16xi32>
      %swap3A_478 = vector.shape_cast %add3A_474 : vector<16xi32> to vector<16xi32>
      tpu.vector_store %arg5[%swap3A_475], %swap3A_478 {strides = array<i32>} : memref<13312xi32, #tpu.memory_space<vmem>>, vector<16xi32>,
      %mul3A_479 = arith.constant 64 : i32
      %mul3A_480 = arith.muli %mul3A_479, %scan3A_390 : i32
      %add3A_481 = arith.constant 48 : i32
      %add3A_482 = arith.addi %mul3A_480, %add3A_481 : i32
      %get3A_483 = arith.index_cast %add3A_482 : i32 to index
      %get3A_484 = tpu.vector_load %arg5[%get3A_483] {strides = array<i32>} : memref<13312xi32, #tpu.memory_space<vmem>>, vector<16xi32>,
      %get3A_485 = vector.shape_cast %get3A_484 : vector<16xi32> to vector<16xi32>
      %shift_right_arithmetic3A_486 = arith.constant 13 : i32
      %shift_right_arithmetic3A_487 = vector.broadcast %shift_right_arithmetic3A_486 : i32 to vector<16xi32>
      %shift_right_arithmetic3A_488 = arith.shrsi %get3A_485, %shift_right_arithmetic3A_487 : vector<16xi32>
      %shift_left3A_489 = arith.constant 13 : i32
      %shift_left3A_490 = vector.broadcast %shift_left3A_489 : i32 to vector<16xi32>
      %shift_left3A_491 = arith.shli %shift_right_arithmetic3A_488, %shift_left3A_490 : vector<16xi32>
      %and3A_492 = arith.constant 2047 : i32
      %and3A_493 = vector.broadcast %and3A_492 : i32 to vector<16xi32>
      %and3A_494 = arith.andi %get3A_485, %and3A_493 : vector<16xi32>
      %shift_left3A_495 = arith.constant 2 : i32
      %shift_left3A_496 = vector.broadcast %shift_left3A_495 : i32 to vector<16xi32>
      %shift_left3A_497 = arith.shli %and3A_494, %shift_left3A_496 : vector<16xi32>
      %add3A_498 = arith.addi %shift_left3A_491, %shift_left3A_497 : vector<16xi32>
      %shift_right_arithmetic3A_499 = arith.constant 11 : i32
      %shift_right_arithmetic3A_500 = vector.broadcast %shift_right_arithmetic3A_499 : i32 to vector<16xi32>
      %shift_right_arithmetic3A_501 = arith.shrsi %get3A_485, %shift_right_arithmetic3A_500 : vector<16xi32>
      %and3A_502 = arith.constant 3 : i32
      %and3A_503 = vector.broadcast %and3A_502 : i32 to vector<16xi32>
      %and3A_504 = arith.andi %shift_right_arithmetic3A_501, %and3A_503 : vector<16xi32>
      %add3A_505 = arith.addi %add3A_498, %and3A_504 : vector<16xi32>
      %swap3A_506 = arith.index_cast %add3A_482 : i32 to index
      %swap3A_507 = tpu.vector_load %arg5[%swap3A_506] {strides = array<i32>} : memref<13312xi32, #tpu.memory_space<vmem>>, vector<16xi32>,
      %swap3A_508 = vector.shape_cast %swap3A_507 : vector<16xi32> to vector<16xi32>
      %swap3A_509 = vector.shape_cast %add3A_505 : vector<16xi32> to vector<16xi32>
      tpu.vector_store %arg5[%swap3A_506], %swap3A_509 {strides = array<i32>} : memref<13312xi32, #tpu.memory_space<vmem>>, vector<16xi32>,
    }
    %scan3A_7 = arith.constant 208 : i32
    %dma_start3A = arith.constant 0 : i32
    %dma_start3A_8 = arith.constant 0 : i32
    %dma_start3A_9 = arith.constant 0 : i32
    %dma_start3A_10 = tpu.memref_slice %arg6[%dma_start3A, %dma_start3A_8, %dma_start3A_9] : memref<2x1664x32xf32, #tpu.memory_space<vmem>> -> memref<1x1664x32xf32, #tpu.memory_space<vmem>>
    %dma_start3A_11 = tpu.memref_squeeze %dma_start3A_10 : memref<1x1664x32xf32, #tpu.memory_space<vmem>> -> memref<1664x32xf32, #tpu.memory_space<vmem>>
    %dma_start3A_12 = arith.constant 0 : i32
    %dma_start3A_13 = tpu.memref_slice %arg5[%dma_start3A_12] : memref<13312xi32, #tpu.memory_space<vmem>> -> memref<1664xi32, #tpu.memory_space<vmem>>
    %dma_start3A_14 = arith.constant 0 : i32
    %dma_start3A_15 = arith.constant 0 : i32
    %dma_start3A_16 = tpu.memref_slice %arg3[%dma_start3A_14, %dma_start3A_15] : memref<1007616x32xf32, #tpu.memory_space<hbm>> -> memref<1007616x32xf32, #tpu.memory_space<hbm>>
    tpu.enqueue_indirect_dma source(%dma_start3A_16 : memref<1007616x32xf32, #tpu.memory_space<hbm>>) target(%dma_start3A_11 : memref<1664x32xf32, #tpu.memory_space<vmem>>) offsets(%dma_start3A_13 : memref<1664xi32, #tpu.memory_space<vmem>>) semaphore(%arg7 : memref<!tpu.dma_semaphore, #tpu.memory_space<semaphore_mem>>)
    %dma_start3A_17 = arith.constant 1 : i32
    %dma_start3A_18 = arith.constant 0 : i32
    %dma_start3A_19 = arith.constant 0 : i32
    %dma_start3A_20 = tpu.memref_slice %arg6[%dma_start3A_17, %dma_start3A_18, %dma_start3A_19] : memref<2x1664x32xf32, #tpu.memory_space<vmem>> -> memref<1x1664x32xf32, #tpu.memory_space<vmem>>
    %dma_start3A_21 = tpu.memref_squeeze %dma_start3A_20 : memref<1x1664x32xf32, #tpu.memory_space<vmem>> -> memref<1664x32xf32, #tpu.memory_space<vmem>>
    %dma_start3A_22 = arith.constant 1664 : i32
    %dma_start3A_23 = tpu.memref_slice %arg5[%dma_start3A_22] : memref<13312xi32, #tpu.memory_space<vmem>> -> memref<1664xi32, #tpu.memory_space<vmem>>
    %dma_start3A_24 = arith.constant 0 : i32
    %dma_start3A_25 = arith.constant 0 : i32
    %dma_start3A_26 = tpu.memref_slice %arg3[%dma_start3A_24, %dma_start3A_25] : memref<1007616x32xf32, #tpu.memory_space<hbm>> -> memref<1007616x32xf32, #tpu.memory_space<hbm>>
    tpu.enqueue_indirect_dma source(%dma_start3A_26 : memref<1007616x32xf32, #tpu.memory_space<hbm>>) target(%dma_start3A_21 : memref<1664x32xf32, #tpu.memory_space<vmem>>) offsets(%dma_start3A_23 : memref<1664xi32, #tpu.memory_space<vmem>>) semaphore(%arg8 : memref<!tpu.dma_semaphore, #tpu.memory_space<semaphore_mem>>)
    %dma_wait3A = arith.constant 0 : i32
    %dma_wait3A_27 = arith.constant 0 : i32
    %dma_wait3A_28 = arith.constant 0 : i32
    %dma_wait3A_29 = tpu.memref_slice %arg6[%dma_wait3A, %dma_wait3A_27, %dma_wait3A_28] : memref<2x1664x32xf32, #tpu.memory_space<vmem>> -> memref<1x1664x32xf32, #tpu.memory_space<vmem>>
    %dma_wait3A_30 = tpu.memref_squeeze %dma_wait3A_29 : memref<1x1664x32xf32, #tpu.memory_space<vmem>> -> memref<1664x32xf32, #tpu.memory_space<vmem>>
    %dma_wait3A_31 = arith.constant 0 : i32
    %dma_wait3A_32 = tpu.memref_slice %arg5[%dma_wait3A_31] : memref<13312xi32, #tpu.memory_space<vmem>> -> memref<1664xi32, #tpu.memory_space<vmem>>
    %dma_wait3A_33 = arith.constant 0 : i32
    %dma_wait3A_34 = arith.constant 0 : i32
    %dma_wait3A_35 = tpu.memref_slice %arg3[%dma_wait3A_33, %dma_wait3A_34] : memref<1007616x32xf32, #tpu.memory_space<hbm>> -> memref<1007616x32xf32, #tpu.memory_space<hbm>>
    tpu.wait_indirect_dma semaphore(%arg7 : memref<!tpu.dma_semaphore, #tpu.memory_space<semaphore_mem>>) src(%dma_wait3A_35 : memref<1007616x32xf32, #tpu.memory_space<hbm>>) dst(%dma_wait3A_30 : memref<1664x32xf32, #tpu.memory_space<vmem>>)
    %add3A_36 = arith.constant 0 : i32
    %add3A_37 = arith.addi %mul3A_2, %add3A_36 : i32
    %dma_start3A_38 = arith.constant 0 : i32
    %dma_start3A_39 = arith.constant 0 : i32
    %dma_start3A_40 = arith.constant 0 : i32
    %dma_start3A_41 = tpu.memref_slice %arg6[%dma_start3A_38, %dma_start3A_39, %dma_start3A_40] : memref<2x1664x32xf32, #tpu.memory_space<vmem>> -> memref<1x1664x32xf32, #tpu.memory_space<vmem>>
    %dma_start3A_42 = tpu.memref_squeeze %dma_start3A_41 : memref<1x1664x32xf32, #tpu.memory_space<vmem>> -> memref<1664x32xf32, #tpu.memory_space<vmem>>
    %dma_start3A_43 = arith.constant 0 : i32
    %dma_start3A_44 = tpu.memref_slice %arg4[%add3A_37, %dma_start3A_43] : memref<425984x32xf32, #tpu.memory_space<hbm>> -> memref<1664x32xf32, #tpu.memory_space<hbm>>
    %dma_start3A_45 = arith.constant 0 : i32
    %dma_start3A_46 = tpu.memref_slice %arg4[%add3A_37, %dma_start3A_45] : memref<425984x32xf32, #tpu.memory_space<hbm>> -> memref<1664x32xf32, #tpu.memory_space<hbm>>
    %dma_start3A_47 = arith.constant 0 : i32
    %dma_start3A_48 = arith.constant 0 : i32
    %dma_start3A_49 = tpu.memref_slice %arg6[%dma_start3A_38, %dma_start3A_47, %dma_start3A_48] : memref<2x1664x32xf32, #tpu.memory_space<vmem>> -> memref<1x1664x32xf32, #tpu.memory_space<vmem>>
    %dma_start3A_50 = tpu.memref_squeeze %dma_start3A_49 : memref<1x1664x32xf32, #tpu.memory_space<vmem>> -> memref<1664x32xf32, #tpu.memory_space<vmem>>
    tpu.enqueue_dma source(%dma_start3A_50 : memref<1664x32xf32, #tpu.memory_space<vmem>>) target(%dma_start3A_46 : memref<1664x32xf32, #tpu.memory_space<hbm>>) target_semaphore(%arg9 : memref<!tpu.dma_semaphore, #tpu.memory_space<semaphore_mem>>)
    %dma_wait3A_51 = arith.constant 0 : i32
    %dma_wait3A_52 = arith.constant 0 : i32
    %dma_wait3A_53 = arith.constant 0 : i32
    %dma_wait3A_54 = tpu.memref_slice %arg6[%dma_wait3A_51, %dma_wait3A_52, %dma_wait3A_53] : memref<2x1664x32xf32, #tpu.memory_space<vmem>> -> memref<1x1664x32xf32, #tpu.memory_space<vmem>>
    %dma_wait3A_55 = tpu.memref_squeeze %dma_wait3A_54 : memref<1x1664x32xf32, #tpu.memory_space<vmem>> -> memref<1664x32xf32, #tpu.memory_space<vmem>>
    %dma_wait3A_56 = arith.constant 0 : i32
    %dma_wait3A_57 = tpu.memref_slice %arg4[%add3A_37, %dma_wait3A_56] : memref<425984x32xf32, #tpu.memory_space<hbm>> -> memref<1664x32xf32, #tpu.memory_space<hbm>>
    %dma_wait3A_58 = arith.constant 0 : i32
    %dma_wait3A_59 = tpu.memref_slice %arg4[%add3A_37, %dma_wait3A_58] : memref<425984x32xf32, #tpu.memory_space<hbm>> -> memref<1664x32xf32, #tpu.memory_space<hbm>>
    %dma_wait3A_60 = arith.constant 0 : i32
    %dma_wait3A_61 = arith.constant 0 : i32
    %dma_wait3A_62 = tpu.memref_slice %arg6[%dma_wait3A_51, %dma_wait3A_60, %dma_wait3A_61] : memref<2x1664x32xf32, #tpu.memory_space<vmem>> -> memref<1x1664x32xf32, #tpu.memory_space<vmem>>
    %dma_wait3A_63 = tpu.memref_squeeze %dma_wait3A_62 : memref<1x1664x32xf32, #tpu.memory_space<vmem>> -> memref<1664x32xf32, #tpu.memory_space<vmem>>
    tpu.wait_dma2 semaphore(%arg9 : memref<!tpu.dma_semaphore, #tpu.memory_space<semaphore_mem>>) src(%dma_wait3A_63 : memref<1664x32xf32, #tpu.memory_space<vmem>>) dst(%dma_wait3A_59 : memref<1664x32xf32, #tpu.memory_space<hbm>>)
    %dma_start3A_64 = arith.constant 0 : i32
    %dma_start3A_65 = arith.constant 0 : i32
    %dma_start3A_66 = arith.constant 0 : i32
    %dma_start3A_67 = tpu.memref_slice %arg6[%dma_start3A_64, %dma_start3A_65, %dma_start3A_66] : memref<2x1664x32xf32, #tpu.memory_space<vmem>> -> memref<1x1664x32xf32, #tpu.memory_space<vmem>>
    %dma_start3A_68 = tpu.memref_squeeze %dma_start3A_67 : memref<1x1664x32xf32, #tpu.memory_space<vmem>> -> memref<1664x32xf32, #tpu.memory_space<vmem>>
    %dma_start3A_69 = arith.constant 3328 : i32
    %dma_start3A_70 = tpu.memref_slice %arg5[%dma_start3A_69] : memref<13312xi32, #tpu.memory_space<vmem>> -> memref<1664xi32, #tpu.memory_space<vmem>>
    %dma_start3A_71 = arith.constant 0 : i32
    %dma_start3A_72 = arith.constant 0 : i32
    %dma_start3A_73 = tpu.memref_slice %arg3[%dma_start3A_71, %dma_start3A_72] : memref<1007616x32xf32, #tpu.memory_space<hbm>> -> memref<1007616x32xf32, #tpu.memory_space<hbm>>
    tpu.enqueue_indirect_dma source(%dma_start3A_73 : memref<1007616x32xf32, #tpu.memory_space<hbm>>) target(%dma_start3A_68 : memref<1664x32xf32, #tpu.memory_space<vmem>>) offsets(%dma_start3A_70 : memref<1664xi32, #tpu.memory_space<vmem>>) semaphore(%arg7 : memref<!tpu.dma_semaphore, #tpu.memory_space<semaphore_mem>>)
    %dma_wait3A_74 = arith.constant 1 : i32
    %dma_wait3A_75 = arith.constant 0 : i32
    %dma_wait3A_76 = arith.constant 0 : i32
    %dma_wait3A_77 = tpu.memref_slice %arg6[%dma_wait3A_74, %dma_wait3A_75, %dma_wait3A_76] : memref<2x1664x32xf32, #tpu.memory_space<vmem>> -> memref<1x1664x32xf32, #tpu.memory_space<vmem>>
    %dma_wait3A_78 = tpu.memref_squeeze %dma_wait3A_77 : memref<1x1664x32xf32, #tpu.memory_space<vmem>> -> memref<1664x32xf32, #tpu.memory_space<vmem>>
    %dma_wait3A_79 = arith.constant 1664 : i32
    %dma_wait3A_80 = tpu.memref_slice %arg5[%dma_wait3A_79] : memref<13312xi32, #tpu.memory_space<vmem>> -> memref<1664xi32, #tpu.memory_space<vmem>>
    %dma_wait3A_81 = arith.constant 0 : i32
    %dma_wait3A_82 = arith.constant 0 : i32
    %dma_wait3A_83 = tpu.memref_slice %arg3[%dma_wait3A_81, %dma_wait3A_82] : memref<1007616x32xf32, #tpu.memory_space<hbm>> -> memref<1007616x32xf32, #tpu.memory_space<hbm>>
    tpu.wait_indirect_dma semaphore(%arg8 : memref<!tpu.dma_semaphore, #tpu.memory_space<semaphore_mem>>) src(%dma_wait3A_83 : memref<1007616x32xf32, #tpu.memory_space<hbm>>) dst(%dma_wait3A_78 : memref<1664x32xf32, #tpu.memory_space<vmem>>)
    %add3A_84 = arith.constant 1664 : i32
    %add3A_85 = arith.addi %mul3A_2, %add3A_84 : i32
    %dma_start3A_86 = arith.constant 1 : i32
    %dma_start3A_87 = arith.constant 0 : i32
    %dma_start3A_88 = arith.constant 0 : i32
    %dma_start3A_89 = tpu.memref_slice %arg6[%dma_start3A_86, %dma_start3A_87, %dma_start3A_88] : memref<2x1664x32xf32, #tpu.memory_space<vmem>> -> memref<1x1664x32xf32, #tpu.memory_space<vmem>>
    %dma_start3A_90 = tpu.memref_squeeze %dma_start3A_89 : memref<1x1664x32xf32, #tpu.memory_space<vmem>> -> memref<1664x32xf32, #tpu.memory_space<vmem>>
    %dma_start3A_91 = arith.constant 0 : i32
    %dma_start3A_92 = tpu.memref_slice %arg4[%add3A_85, %dma_start3A_91] : memref<425984x32xf32, #tpu.memory_space<hbm>> -> memref<1664x32xf32, #tpu.memory_space<hbm>>
    %dma_start3A_93 = arith.constant 0 : i32
    %dma_start3A_94 = tpu.memref_slice %arg4[%add3A_85, %dma_start3A_93] : memref<425984x32xf32, #tpu.memory_space<hbm>> -> memref<1664x32xf32, #tpu.memory_space<hbm>>
    %dma_start3A_95 = arith.constant 0 : i32
    %dma_start3A_96 = arith.constant 0 : i32
    %dma_start3A_97 = tpu.memref_slice %arg6[%dma_start3A_86, %dma_start3A_95, %dma_start3A_96] : memref<2x1664x32xf32, #tpu.memory_space<vmem>> -> memref<1x1664x32xf32, #tpu.memory_space<vmem>>
    %dma_start3A_98 = tpu.memref_squeeze %dma_start3A_97 : memref<1x1664x32xf32, #tpu.memory_space<vmem>> -> memref<1664x32xf32, #tpu.memory_space<vmem>>
    tpu.enqueue_dma source(%dma_start3A_98 : memref<1664x32xf32, #tpu.memory_space<vmem>>) target(%dma_start3A_94 : memref<1664x32xf32, #tpu.memory_space<hbm>>) target_semaphore(%arg10 : memref<!tpu.dma_semaphore, #tpu.memory_space<semaphore_mem>>)
    %dma_wait3A_99 = arith.constant 1 : i32
    %dma_wait3A_100 = arith.constant 0 : i32
    %dma_wait3A_101 = arith.constant 0 : i32
    %dma_wait3A_102 = tpu.memref_slice %arg6[%dma_wait3A_99, %dma_wait3A_100, %dma_wait3A_101] : memref<2x1664x32xf32, #tpu.memory_space<vmem>> -> memref<1x1664x32xf32, #tpu.memory_space<vmem>>
    %dma_wait3A_103 = tpu.memref_squeeze %dma_wait3A_102 : memref<1x1664x32xf32, #tpu.memory_space<vmem>> -> memref<1664x32xf32, #tpu.memory_space<vmem>>
    %dma_wait3A_104 = arith.constant 0 : i32
    %dma_wait3A_105 = tpu.memref_slice %arg4[%add3A_85, %dma_wait3A_104] : memref<425984x32xf32, #tpu.memory_space<hbm>> -> memref<1664x32xf32, #tpu.memory_space<hbm>>
    %dma_wait3A_106 = arith.constant 0 : i32
    %dma_wait3A_107 = tpu.memref_slice %arg4[%add3A_85, %dma_wait3A_106] : memref<425984x32xf32, #tpu.memory_space<hbm>> -> memref<1664x32xf32, #tpu.memory_space<hbm>>
    %dma_wait3A_108 = arith.constant 0 : i32
    %dma_wait3A_109 = arith.constant 0 : i32
    %dma_wait3A_110 = tpu.memref_slice %arg6[%dma_wait3A_99, %dma_wait3A_108, %dma_wait3A_109] : memref<2x1664x32xf32, #tpu.memory_space<vmem>> -> memref<1x1664x32xf32, #tpu.memory_space<vmem>>
    %dma_wait3A_111 = tpu.memref_squeeze %dma_wait3A_110 : memref<1x1664x32xf32, #tpu.memory_space<vmem>> -> memref<1664x32xf32, #tpu.memory_space<vmem>>
    tpu.wait_dma2 semaphore(%arg10 : memref<!tpu.dma_semaphore, #tpu.memory_space<semaphore_mem>>) src(%dma_wait3A_111 : memref<1664x32xf32, #tpu.memory_space<vmem>>) dst(%dma_wait3A_107 : memref<1664x32xf32, #tpu.memory_space<hbm>>)
    %dma_start3A_112 = arith.constant 1 : i32
    %dma_start3A_113 = arith.constant 0 : i32
    %dma_start3A_114 = arith.constant 0 : i32
    %dma_start3A_115 = tpu.memref_slice %arg6[%dma_start3A_112, %dma_start3A_113, %dma_start3A_114] : memref<2x1664x32xf32, #tpu.memory_space<vmem>> -> memref<1x1664x32xf32, #tpu.memory_space<vmem>>
    %dma_start3A_116 = tpu.memref_squeeze %dma_start3A_115 : memref<1x1664x32xf32, #tpu.memory_space<vmem>> -> memref<1664x32xf32, #tpu.memory_space<vmem>>
    %dma_start3A_117 = arith.constant 4992 : i32
    %dma_start3A_118 = tpu.memref_slice %arg5[%dma_start3A_117] : memref<13312xi32, #tpu.memory_space<vmem>> -> memref<1664xi32, #tpu.memory_space<vmem>>
    %dma_start3A_119 = arith.constant 0 : i32
    %dma_start3A_120 = arith.constant 0 : i32
    %dma_start3A_121 = tpu.memref_slice %arg3[%dma_start3A_119, %dma_start3A_120] : memref<1007616x32xf32, #tpu.memory_space<hbm>> -> memref<1007616x32xf32, #tpu.memory_space<hbm>>
    tpu.enqueue_indirect_dma source(%dma_start3A_121 : memref<1007616x32xf32, #tpu.memory_space<hbm>>) target(%dma_start3A_116 : memref<1664x32xf32, #tpu.memory_space<vmem>>) offsets(%dma_start3A_118 : memref<1664xi32, #tpu.memory_space<vmem>>) semaphore(%arg8 : memref<!tpu.dma_semaphore, #tpu.memory_space<semaphore_mem>>)
    %dma_wait3A_122 = arith.constant 0 : i32
    %dma_wait3A_123 = arith.constant 0 : i32
    %dma_wait3A_124 = arith.constant 0 : i32
    %dma_wait3A_125 = tpu.memref_slice %arg6[%dma_wait3A_122, %dma_wait3A_123, %dma_wait3A_124] : memref<2x1664x32xf32, #tpu.memory_space<vmem>> -> memref<1x1664x32xf32, #tpu.memory_space<vmem>>
    %dma_wait3A_126 = tpu.memref_squeeze %dma_wait3A_125 : memref<1x1664x32xf32, #tpu.memory_space<vmem>> -> memref<1664x32xf32, #tpu.memory_space<vmem>>
    %dma_wait3A_127 = arith.constant 3328 : i32
    %dma_wait3A_128 = tpu.memref_slice %arg5[%dma_wait3A_127] : memref<13312xi32, #tpu.memory_space<vmem>> -> memref<1664xi32, #tpu.memory_space<vmem>>
    %dma_wait3A_129 = arith.constant 0 : i32
    %dma_wait3A_130 = arith.constant 0 : i32
    %dma_wait3A_131 = tpu.memref_slice %arg3[%dma_wait3A_129, %dma_wait3A_130] : memref<1007616x32xf32, #tpu.memory_space<hbm>> -> memref<1007616x32xf32, #tpu.memory_space<hbm>>
    tpu.wait_indirect_dma semaphore(%arg7 : memref<!tpu.dma_semaphore, #tpu.memory_space<semaphore_mem>>) src(%dma_wait3A_131 : memref<1007616x32xf32, #tpu.memory_space<hbm>>) dst(%dma_wait3A_126 : memref<1664x32xf32, #tpu.memory_space<vmem>>)
    %add3A_132 = arith.constant 3328 : i32
    %add3A_133 = arith.addi %mul3A_2, %add3A_132 : i32
    %dma_start3A_134 = arith.constant 0 : i32
    %dma_start3A_135 = arith.constant 0 : i32
    %dma_start3A_136 = arith.constant 0 : i32
    %dma_start3A_137 = tpu.memref_slice %arg6[%dma_start3A_134, %dma_start3A_135, %dma_start3A_136] : memref<2x1664x32xf32, #tpu.memory_space<vmem>> -> memref<1x1664x32xf32, #tpu.memory_space<vmem>>
    %dma_start3A_138 = tpu.memref_squeeze %dma_start3A_137 : memref<1x1664x32xf32, #tpu.memory_space<vmem>> -> memref<1664x32xf32, #tpu.memory_space<vmem>>
    %dma_start3A_139 = arith.constant 0 : i32
    %dma_start3A_140 = tpu.memref_slice %arg4[%add3A_133, %dma_start3A_139] : memref<425984x32xf32, #tpu.memory_space<hbm>> -> memref<1664x32xf32, #tpu.memory_space<hbm>>
    %dma_start3A_141 = arith.constant 0 : i32
    %dma_start3A_142 = tpu.memref_slice %arg4[%add3A_133, %dma_start3A_141] : memref<425984x32xf32, #tpu.memory_space<hbm>> -> memref<1664x32xf32, #tpu.memory_space<hbm>>
    %dma_start3A_143 = arith.constant 0 : i32
    %dma_start3A_144 = arith.constant 0 : i32
    %dma_start3A_145 = tpu.memref_slice %arg6[%dma_start3A_134, %dma_start3A_143, %dma_start3A_144] : memref<2x1664x32xf32, #tpu.memory_space<vmem>> -> memref<1x1664x32xf32, #tpu.memory_space<vmem>>
    %dma_start3A_146 = tpu.memref_squeeze %dma_start3A_145 : memref<1x1664x32xf32, #tpu.memory_space<vmem>> -> memref<1664x32xf32, #tpu.memory_space<vmem>>
    tpu.enqueue_dma source(%dma_start3A_146 : memref<1664x32xf32, #tpu.memory_space<vmem>>) target(%dma_start3A_142 : memref<1664x32xf32, #tpu.memory_space<hbm>>) target_semaphore(%arg9 : memref<!tpu.dma_semaphore, #tpu.memory_space<semaphore_mem>>)
    %dma_wait3A_147 = arith.constant 0 : i32
    %dma_wait3A_148 = arith.constant 0 : i32
    %dma_wait3A_149 = arith.constant 0 : i32
    %dma_wait3A_150 = tpu.memref_slice %arg6[%dma_wait3A_147, %dma_wait3A_148, %dma_wait3A_149] : memref<2x1664x32xf32, #tpu.memory_space<vmem>> -> memref<1x1664x32xf32, #tpu.memory_space<vmem>>
    %dma_wait3A_151 = tpu.memref_squeeze %dma_wait3A_150 : memref<1x1664x32xf32, #tpu.memory_space<vmem>> -> memref<1664x32xf32, #tpu.memory_space<vmem>>
    %dma_wait3A_152 = arith.constant 0 : i32
    %dma_wait3A_153 = tpu.memref_slice %arg4[%add3A_133, %dma_wait3A_152] : memref<425984x32xf32, #tpu.memory_space<hbm>> -> memref<1664x32xf32, #tpu.memory_space<hbm>>
    %dma_wait3A_154 = arith.constant 0 : i32
    %dma_wait3A_155 = tpu.memref_slice %arg4[%add3A_133, %dma_wait3A_154] : memref<425984x32xf32, #tpu.memory_space<hbm>> -> memref<1664x32xf32, #tpu.memory_space<hbm>>
    %dma_wait3A_156 = arith.constant 0 : i32
    %dma_wait3A_157 = arith.constant 0 : i32
    %dma_wait3A_158 = tpu.memref_slice %arg6[%dma_wait3A_147, %dma_wait3A_156, %dma_wait3A_157] : memref<2x1664x32xf32, #tpu.memory_space<vmem>> -> memref<1x1664x32xf32, #tpu.memory_space<vmem>>
    %dma_wait3A_159 = tpu.memref_squeeze %dma_wait3A_158 : memref<1x1664x32xf32, #tpu.memory_space<vmem>> -> memref<1664x32xf32, #tpu.memory_space<vmem>>
    tpu.wait_dma2 semaphore(%arg9 : memref<!tpu.dma_semaphore, #tpu.memory_space<semaphore_mem>>) src(%dma_wait3A_159 : memref<1664x32xf32, #tpu.memory_space<vmem>>) dst(%dma_wait3A_155 : memref<1664x32xf32, #tpu.memory_space<hbm>>)
    %dma_start3A_160 = arith.constant 0 : i32
    %dma_start3A_161 = arith.constant 0 : i32
    %dma_start3A_162 = arith.constant 0 : i32
    %dma_start3A_163 = tpu.memref_slice %arg6[%dma_start3A_160, %dma_start3A_161, %dma_start3A_162] : memref<2x1664x32xf32, #tpu.memory_space<vmem>> -> memref<1x1664x32xf32, #tpu.memory_space<vmem>>
    %dma_start3A_164 = tpu.memref_squeeze %dma_start3A_163 : memref<1x1664x32xf32, #tpu.memory_space<vmem>> -> memref<1664x32xf32, #tpu.memory_space<vmem>>
    %dma_start3A_165 = arith.constant 6656 : i32
    %dma_start3A_166 = tpu.memref_slice %arg5[%dma_start3A_165] : memref<13312xi32, #tpu.memory_space<vmem>> -> memref<1664xi32, #tpu.memory_space<vmem>>
    %dma_start3A_167 = arith.constant 0 : i32
    %dma_start3A_168 = arith.constant 0 : i32
    %dma_start3A_169 = tpu.memref_slice %arg3[%dma_start3A_167, %dma_start3A_168] : memref<1007616x32xf32, #tpu.memory_space<hbm>> -> memref<1007616x32xf32, #tpu.memory_space<hbm>>
    tpu.enqueue_indirect_dma source(%dma_start3A_169 : memref<1007616x32xf32, #tpu.memory_space<hbm>>) target(%dma_start3A_164 : memref<1664x32xf32, #tpu.memory_space<vmem>>) offsets(%dma_start3A_166 : memref<1664xi32, #tpu.memory_space<vmem>>) semaphore(%arg7 : memref<!tpu.dma_semaphore, #tpu.memory_space<semaphore_mem>>)
    %dma_wait3A_170 = arith.constant 1 : i32
    %dma_wait3A_171 = arith.constant 0 : i32
    %dma_wait3A_172 = arith.constant 0 : i32
    %dma_wait3A_173 = tpu.memref_slice %arg6[%dma_wait3A_170, %dma_wait3A_171, %dma_wait3A_172] : memref<2x1664x32xf32, #tpu.memory_space<vmem>> -> memref<1x1664x32xf32, #tpu.memory_space<vmem>>
    %dma_wait3A_174 = tpu.memref_squeeze %dma_wait3A_173 : memref<1x1664x32xf32, #tpu.memory_space<vmem>> -> memref<1664x32xf32, #tpu.memory_space<vmem>>
    %dma_wait3A_175 = arith.constant 4992 : i32
    %dma_wait3A_176 = tpu.memref_slice %arg5[%dma_wait3A_175] : memref<13312xi32, #tpu.memory_space<vmem>> -> memref<1664xi32, #tpu.memory_space<vmem>>
    %dma_wait3A_177 = arith.constant 0 : i32
    %dma_wait3A_178 = arith.constant 0 : i32
    %dma_wait3A_179 = tpu.memref_slice %arg3[%dma_wait3A_177, %dma_wait3A_178] : memref<1007616x32xf32, #tpu.memory_space<hbm>> -> memref<1007616x32xf32, #tpu.memory_space<hbm>>
    tpu.wait_indirect_dma semaphore(%arg8 : memref<!tpu.dma_semaphore, #tpu.memory_space<semaphore_mem>>) src(%dma_wait3A_179 : memref<1007616x32xf32, #tpu.memory_space<hbm>>) dst(%dma_wait3A_174 : memref<1664x32xf32, #tpu.memory_space<vmem>>)
    %add3A_180 = arith.constant 4992 : i32
    %add3A_181 = arith.addi %mul3A_2, %add3A_180 : i32
    %dma_start3A_182 = arith.constant 1 : i32
    %dma_start3A_183 = arith.constant 0 : i32
    %dma_start3A_184 = arith.constant 0 : i32
    %dma_start3A_185 = tpu.memref_slice %arg6[%dma_start3A_182, %dma_start3A_183, %dma_start3A_184] : memref<2x1664x32xf32, #tpu.memory_space<vmem>> -> memref<1x1664x32xf32, #tpu.memory_space<vmem>>
    %dma_start3A_186 = tpu.memref_squeeze %dma_start3A_185 : memref<1x1664x32xf32, #tpu.memory_space<vmem>> -> memref<1664x32xf32, #tpu.memory_space<vmem>>
    %dma_start3A_187 = arith.constant 0 : i32
    %dma_start3A_188 = tpu.memref_slice %arg4[%add3A_181, %dma_start3A_187] : memref<425984x32xf32, #tpu.memory_space<hbm>> -> memref<1664x32xf32, #tpu.memory_space<hbm>>
    %dma_start3A_189 = arith.constant 0 : i32
    %dma_start3A_190 = tpu.memref_slice %arg4[%add3A_181, %dma_start3A_189] : memref<425984x32xf32, #tpu.memory_space<hbm>> -> memref<1664x32xf32, #tpu.memory_space<hbm>>
    %dma_start3A_191 = arith.constant 0 : i32
    %dma_start3A_192 = arith.constant 0 : i32
    %dma_start3A_193 = tpu.memref_slice %arg6[%dma_start3A_182, %dma_start3A_191, %dma_start3A_192] : memref<2x1664x32xf32, #tpu.memory_space<vmem>> -> memref<1x1664x32xf32, #tpu.memory_space<vmem>>
    %dma_start3A_194 = tpu.memref_squeeze %dma_start3A_193 : memref<1x1664x32xf32, #tpu.memory_space<vmem>> -> memref<1664x32xf32, #tpu.memory_space<vmem>>
    tpu.enqueue_dma source(%dma_start3A_194 : memref<1664x32xf32, #tpu.memory_space<vmem>>) target(%dma_start3A_190 : memref<1664x32xf32, #tpu.memory_space<hbm>>) target_semaphore(%arg10 : memref<!tpu.dma_semaphore, #tpu.memory_space<semaphore_mem>>)
    %dma_wait3A_195 = arith.constant 1 : i32
    %dma_wait3A_196 = arith.constant 0 : i32
    %dma_wait3A_197 = arith.constant 0 : i32
    %dma_wait3A_198 = tpu.memref_slice %arg6[%dma_wait3A_195, %dma_wait3A_196, %dma_wait3A_197] : memref<2x1664x32xf32, #tpu.memory_space<vmem>> -> memref<1x1664x32xf32, #tpu.memory_space<vmem>>
    %dma_wait3A_199 = tpu.memref_squeeze %dma_wait3A_198 : memref<1x1664x32xf32, #tpu.memory_space<vmem>> -> memref<1664x32xf32, #tpu.memory_space<vmem>>
    %dma_wait3A_200 = arith.constant 0 : i32
    %dma_wait3A_201 = tpu.memref_slice %arg4[%add3A_181, %dma_wait3A_200] : memref<425984x32xf32, #tpu.memory_space<hbm>> -> memref<1664x32xf32, #tpu.memory_space<hbm>>
    %dma_wait3A_202 = arith.constant 0 : i32
    %dma_wait3A_203 = tpu.memref_slice %arg4[%add3A_181, %dma_wait3A_202] : memref<425984x32xf32, #tpu.memory_space<hbm>> -> memref<1664x32xf32, #tpu.memory_space<hbm>>
    %dma_wait3A_204 = arith.constant 0 : i32
    %dma_wait3A_205 = arith.constant 0 : i32
    %dma_wait3A_206 = tpu.memref_slice %arg6[%dma_wait3A_195, %dma_wait3A_204, %dma_wait3A_205] : memref<2x1664x32xf32, #tpu.memory_space<vmem>> -> memref<1x1664x32xf32, #tpu.memory_space<vmem>>
    %dma_wait3A_207 = tpu.memref_squeeze %dma_wait3A_206 : memref<1x1664x32xf32, #tpu.memory_space<vmem>> -> memref<1664x32xf32, #tpu.memory_space<vmem>>
    tpu.wait_dma2 semaphore(%arg10 : memref<!tpu.dma_semaphore, #tpu.memory_space<semaphore_mem>>) src(%dma_wait3A_207 : memref<1664x32xf32, #tpu.memory_space<vmem>>) dst(%dma_wait3A_203 : memref<1664x32xf32, #tpu.memory_space<hbm>>)
    %dma_start3A_208 = arith.constant 1 : i32
    %dma_start3A_209 = arith.constant 0 : i32
    %dma_start3A_210 = arith.constant 0 : i32
    %dma_start3A_211 = tpu.memref_slice %arg6[%dma_start3A_208, %dma_start3A_209, %dma_start3A_210] : memref<2x1664x32xf32, #tpu.memory_space<vmem>> -> memref<1x1664x32xf32, #tpu.memory_space<vmem>>
    %dma_start3A_212 = tpu.memref_squeeze %dma_start3A_211 : memref<1x1664x32xf32, #tpu.memory_space<vmem>> -> memref<1664x32xf32, #tpu.memory_space<vmem>>
    %dma_start3A_213 = arith.constant 8320 : i32
    %dma_start3A_214 = tpu.memref_slice %arg5[%dma_start3A_213] : memref<13312xi32, #tpu.memory_space<vmem>> -> memref<1664xi32, #tpu.memory_space<vmem>>
    %dma_start3A_215 = arith.constant 0 : i32
    %dma_start3A_216 = arith.constant 0 : i32
    %dma_start3A_217 = tpu.memref_slice %arg3[%dma_start3A_215, %dma_start3A_216] : memref<1007616x32xf32, #tpu.memory_space<hbm>> -> memref<1007616x32xf32, #tpu.memory_space<hbm>>
    tpu.enqueue_indirect_dma source(%dma_start3A_217 : memref<1007616x32xf32, #tpu.memory_space<hbm>>) target(%dma_start3A_212 : memref<1664x32xf32, #tpu.memory_space<vmem>>) offsets(%dma_start3A_214 : memref<1664xi32, #tpu.memory_space<vmem>>) semaphore(%arg8 : memref<!tpu.dma_semaphore, #tpu.memory_space<semaphore_mem>>)
    %dma_wait3A_218 = arith.constant 0 : i32
    %dma_wait3A_219 = arith.constant 0 : i32
    %dma_wait3A_220 = arith.constant 0 : i32
    %dma_wait3A_221 = tpu.memref_slice %arg6[%dma_wait3A_218, %dma_wait3A_219, %dma_wait3A_220] : memref<2x1664x32xf32, #tpu.memory_space<vmem>> -> memref<1x1664x32xf32, #tpu.memory_space<vmem>>
    %dma_wait3A_222 = tpu.memref_squeeze %dma_wait3A_221 : memref<1x1664x32xf32, #tpu.memory_space<vmem>> -> memref<1664x32xf32, #tpu.memory_space<vmem>>
    %dma_wait3A_223 = arith.constant 6656 : i32
    %dma_wait3A_224 = tpu.memref_slice %arg5[%dma_wait3A_223] : memref<13312xi32, #tpu.memory_space<vmem>> -> memref<1664xi32, #tpu.memory_space<vmem>>
    %dma_wait3A_225 = arith.constant 0 : i32
    %dma_wait3A_226 = arith.constant 0 : i32
    %dma_wait3A_227 = tpu.memref_slice %arg3[%dma_wait3A_225, %dma_wait3A_226] : memref<1007616x32xf32, #tpu.memory_space<hbm>> -> memref<1007616x32xf32, #tpu.memory_space<hbm>>
    tpu.wait_indirect_dma semaphore(%arg7 : memref<!tpu.dma_semaphore, #tpu.memory_space<semaphore_mem>>) src(%dma_wait3A_227 : memref<1007616x32xf32, #tpu.memory_space<hbm>>) dst(%dma_wait3A_222 : memref<1664x32xf32, #tpu.memory_space<vmem>>)
    %add3A_228 = arith.constant 6656 : i32
    %add3A_229 = arith.addi %mul3A_2, %add3A_228 : i32
    %dma_start3A_230 = arith.constant 0 : i32
    %dma_start3A_231 = arith.constant 0 : i32
    %dma_start3A_232 = arith.constant 0 : i32
    %dma_start3A_233 = tpu.memref_slice %arg6[%dma_start3A_230, %dma_start3A_231, %dma_start3A_232] : memref<2x1664x32xf32, #tpu.memory_space<vmem>> -> memref<1x1664x32xf32, #tpu.memory_space<vmem>>
    %dma_start3A_234 = tpu.memref_squeeze %dma_start3A_233 : memref<1x1664x32xf32, #tpu.memory_space<vmem>> -> memref<1664x32xf32, #tpu.memory_space<vmem>>
    %dma_start3A_235 = arith.constant 0 : i32
    %dma_start3A_236 = tpu.memref_slice %arg4[%add3A_229, %dma_start3A_235] : memref<425984x32xf32, #tpu.memory_space<hbm>> -> memref<1664x32xf32, #tpu.memory_space<hbm>>
    %dma_start3A_237 = arith.constant 0 : i32
    %dma_start3A_238 = tpu.memref_slice %arg4[%add3A_229, %dma_start3A_237] : memref<425984x32xf32, #tpu.memory_space<hbm>> -> memref<1664x32xf32, #tpu.memory_space<hbm>>
    %dma_start3A_239 = arith.constant 0 : i32
    %dma_start3A_240 = arith.constant 0 : i32
    %dma_start3A_241 = tpu.memref_slice %arg6[%dma_start3A_230, %dma_start3A_239, %dma_start3A_240] : memref<2x1664x32xf32, #tpu.memory_space<vmem>> -> memref<1x1664x32xf32, #tpu.memory_space<vmem>>
    %dma_start3A_242 = tpu.memref_squeeze %dma_start3A_241 : memref<1x1664x32xf32, #tpu.memory_space<vmem>> -> memref<1664x32xf32, #tpu.memory_space<vmem>>
    tpu.enqueue_dma source(%dma_start3A_242 : memref<1664x32xf32, #tpu.memory_space<vmem>>) target(%dma_start3A_238 : memref<1664x32xf32, #tpu.memory_space<hbm>>) target_semaphore(%arg9 : memref<!tpu.dma_semaphore, #tpu.memory_space<semaphore_mem>>)
    %dma_wait3A_243 = arith.constant 0 : i32
    %dma_wait3A_244 = arith.constant 0 : i32
    %dma_wait3A_245 = arith.constant 0 : i32
    %dma_wait3A_246 = tpu.memref_slice %arg6[%dma_wait3A_243, %dma_wait3A_244, %dma_wait3A_245] : memref<2x1664x32xf32, #tpu.memory_space<vmem>> -> memref<1x1664x32xf32, #tpu.memory_space<vmem>>
    %dma_wait3A_247 = tpu.memref_squeeze %dma_wait3A_246 : memref<1x1664x32xf32, #tpu.memory_space<vmem>> -> memref<1664x32xf32, #tpu.memory_space<vmem>>
    %dma_wait3A_248 = arith.constant 0 : i32
    %dma_wait3A_249 = tpu.memref_slice %arg4[%add3A_229, %dma_wait3A_248] : memref<425984x32xf32, #tpu.memory_space<hbm>> -> memref<1664x32xf32, #tpu.memory_space<hbm>>
    %dma_wait3A_250 = arith.constant 0 : i32
    %dma_wait3A_251 = tpu.memref_slice %arg4[%add3A_229, %dma_wait3A_250] : memref<425984x32xf32, #tpu.memory_space<hbm>> -> memref<1664x32xf32, #tpu.memory_space<hbm>>
    %dma_wait3A_252 = arith.constant 0 : i32
    %dma_wait3A_253 = arith.constant 0 : i32
    %dma_wait3A_254 = tpu.memref_slice %arg6[%dma_wait3A_243, %dma_wait3A_252, %dma_wait3A_253] : memref<2x1664x32xf32, #tpu.memory_space<vmem>> -> memref<1x1664x32xf32, #tpu.memory_space<vmem>>
    %dma_wait3A_255 = tpu.memref_squeeze %dma_wait3A_254 : memref<1x1664x32xf32, #tpu.memory_space<vmem>> -> memref<1664x32xf32, #tpu.memory_space<vmem>>
    tpu.wait_dma2 semaphore(%arg9 : memref<!tpu.dma_semaphore, #tpu.memory_space<semaphore_mem>>) src(%dma_wait3A_255 : memref<1664x32xf32, #tpu.memory_space<vmem>>) dst(%dma_wait3A_251 : memref<1664x32xf32, #tpu.memory_space<hbm>>)
    %dma_start3A_256 = arith.constant 0 : i32
    %dma_start3A_257 = arith.constant 0 : i32
    %dma_start3A_258 = arith.constant 0 : i32
    %dma_start3A_259 = tpu.memref_slice %arg6[%dma_start3A_256, %dma_start3A_257, %dma_start3A_258] : memref<2x1664x32xf32, #tpu.memory_space<vmem>> -> memref<1x1664x32xf32, #tpu.memory_space<vmem>>
    %dma_start3A_260 = tpu.memref_squeeze %dma_start3A_259 : memref<1x1664x32xf32, #tpu.memory_space<vmem>> -> memref<1664x32xf32, #tpu.memory_space<vmem>>
    %dma_start3A_261 = arith.constant 9984 : i32
    %dma_start3A_262 = tpu.memref_slice %arg5[%dma_start3A_261] : memref<13312xi32, #tpu.memory_space<vmem>> -> memref<1664xi32, #tpu.memory_space<vmem>>
    %dma_start3A_263 = arith.constant 0 : i32
    %dma_start3A_264 = arith.constant 0 : i32
    %dma_start3A_265 = tpu.memref_slice %arg3[%dma_start3A_263, %dma_start3A_264] : memref<1007616x32xf32, #tpu.memory_space<hbm>> -> memref<1007616x32xf32, #tpu.memory_space<hbm>>
    tpu.enqueue_indirect_dma source(%dma_start3A_265 : memref<1007616x32xf32, #tpu.memory_space<hbm>>) target(%dma_start3A_260 : memref<1664x32xf32, #tpu.memory_space<vmem>>) offsets(%dma_start3A_262 : memref<1664xi32, #tpu.memory_space<vmem>>) semaphore(%arg7 : memref<!tpu.dma_semaphore, #tpu.memory_space<semaphore_mem>>)
    %dma_wait3A_266 = arith.constant 1 : i32
    %dma_wait3A_267 = arith.constant 0 : i32
    %dma_wait3A_268 = arith.constant 0 : i32
    %dma_wait3A_269 = tpu.memref_slice %arg6[%dma_wait3A_266, %dma_wait3A_267, %dma_wait3A_268] : memref<2x1664x32xf32, #tpu.memory_space<vmem>> -> memref<1x1664x32xf32, #tpu.memory_space<vmem>>
    %dma_wait3A_270 = tpu.memref_squeeze %dma_wait3A_269 : memref<1x1664x32xf32, #tpu.memory_space<vmem>> -> memref<1664x32xf32, #tpu.memory_space<vmem>>
    %dma_wait3A_271 = arith.constant 8320 : i32
    %dma_wait3A_272 = tpu.memref_slice %arg5[%dma_wait3A_271] : memref<13312xi32, #tpu.memory_space<vmem>> -> memref<1664xi32, #tpu.memory_space<vmem>>
    %dma_wait3A_273 = arith.constant 0 : i32
    %dma_wait3A_274 = arith.constant 0 : i32
    %dma_wait3A_275 = tpu.memref_slice %arg3[%dma_wait3A_273, %dma_wait3A_274] : memref<1007616x32xf32, #tpu.memory_space<hbm>> -> memref<1007616x32xf32, #tpu.memory_space<hbm>>
    tpu.wait_indirect_dma semaphore(%arg8 : memref<!tpu.dma_semaphore, #tpu.memory_space<semaphore_mem>>) src(%dma_wait3A_275 : memref<1007616x32xf32, #tpu.memory_space<hbm>>) dst(%dma_wait3A_270 : memref<1664x32xf32, #tpu.memory_space<vmem>>)
    %add3A_276 = arith.constant 8320 : i32
    %add3A_277 = arith.addi %mul3A_2, %add3A_276 : i32
    %dma_start3A_278 = arith.constant 1 : i32
    %dma_start3A_279 = arith.constant 0 : i32
    %dma_start3A_280 = arith.constant 0 : i32
    %dma_start3A_281 = tpu.memref_slice %arg6[%dma_start3A_278, %dma_start3A_279, %dma_start3A_280] : memref<2x1664x32xf32, #tpu.memory_space<vmem>> -> memref<1x1664x32xf32, #tpu.memory_space<vmem>>
    %dma_start3A_282 = tpu.memref_squeeze %dma_start3A_281 : memref<1x1664x32xf32, #tpu.memory_space<vmem>> -> memref<1664x32xf32, #tpu.memory_space<vmem>>
    %dma_start3A_283 = arith.constant 0 : i32
    %dma_start3A_284 = tpu.memref_slice %arg4[%add3A_277, %dma_start3A_283] : memref<425984x32xf32, #tpu.memory_space<hbm>> -> memref<1664x32xf32, #tpu.memory_space<hbm>>
    %dma_start3A_285 = arith.constant 0 : i32
    %dma_start3A_286 = tpu.memref_slice %arg4[%add3A_277, %dma_start3A_285] : memref<425984x32xf32, #tpu.memory_space<hbm>> -> memref<1664x32xf32, #tpu.memory_space<hbm>>
    %dma_start3A_287 = arith.constant 0 : i32
    %dma_start3A_288 = arith.constant 0 : i32
    %dma_start3A_289 = tpu.memref_slice %arg6[%dma_start3A_278, %dma_start3A_287, %dma_start3A_288] : memref<2x1664x32xf32, #tpu.memory_space<vmem>> -> memref<1x1664x32xf32, #tpu.memory_space<vmem>>
    %dma_start3A_290 = tpu.memref_squeeze %dma_start3A_289 : memref<1x1664x32xf32, #tpu.memory_space<vmem>> -> memref<1664x32xf32, #tpu.memory_space<vmem>>
    tpu.enqueue_dma source(%dma_start3A_290 : memref<1664x32xf32, #tpu.memory_space<vmem>>) target(%dma_start3A_286 : memref<1664x32xf32, #tpu.memory_space<hbm>>) target_semaphore(%arg10 : memref<!tpu.dma_semaphore, #tpu.memory_space<semaphore_mem>>)
    %dma_wait3A_291 = arith.constant 1 : i32
    %dma_wait3A_292 = arith.constant 0 : i32
    %dma_wait3A_293 = arith.constant 0 : i32
    %dma_wait3A_294 = tpu.memref_slice %arg6[%dma_wait3A_291, %dma_wait3A_292, %dma_wait3A_293] : memref<2x1664x32xf32, #tpu.memory_space<vmem>> -> memref<1x1664x32xf32, #tpu.memory_space<vmem>>
    %dma_wait3A_295 = tpu.memref_squeeze %dma_wait3A_294 : memref<1x1664x32xf32, #tpu.memory_space<vmem>> -> memref<1664x32xf32, #tpu.memory_space<vmem>>
    %dma_wait3A_296 = arith.constant 0 : i32
    %dma_wait3A_297 = tpu.memref_slice %arg4[%add3A_277, %dma_wait3A_296] : memref<425984x32xf32, #tpu.memory_space<hbm>> -> memref<1664x32xf32, #tpu.memory_space<hbm>>
    %dma_wait3A_298 = arith.constant 0 : i32
    %dma_wait3A_299 = tpu.memref_slice %arg4[%add3A_277, %dma_wait3A_298] : memref<425984x32xf32, #tpu.memory_space<hbm>> -> memref<1664x32xf32, #tpu.memory_space<hbm>>
    %dma_wait3A_300 = arith.constant 0 : i32
    %dma_wait3A_301 = arith.constant 0 : i32
    %dma_wait3A_302 = tpu.memref_slice %arg6[%dma_wait3A_291, %dma_wait3A_300, %dma_wait3A_301] : memref<2x1664x32xf32, #tpu.memory_space<vmem>> -> memref<1x1664x32xf32, #tpu.memory_space<vmem>>
    %dma_wait3A_303 = tpu.memref_squeeze %dma_wait3A_302 : memref<1x1664x32xf32, #tpu.memory_space<vmem>> -> memref<1664x32xf32, #tpu.memory_space<vmem>>
    tpu.wait_dma2 semaphore(%arg10 : memref<!tpu.dma_semaphore, #tpu.memory_space<semaphore_mem>>) src(%dma_wait3A_303 : memref<1664x32xf32, #tpu.memory_space<vmem>>) dst(%dma_wait3A_299 : memref<1664x32xf32, #tpu.memory_space<hbm>>)
    %dma_start3A_304 = arith.constant 1 : i32
    %dma_start3A_305 = arith.constant 0 : i32
    %dma_start3A_306 = arith.constant 0 : i32
    %dma_start3A_307 = tpu.memref_slice %arg6[%dma_start3A_304, %dma_start3A_305, %dma_start3A_306] : memref<2x1664x32xf32, #tpu.memory_space<vmem>> -> memref<1x1664x32xf32, #tpu.memory_space<vmem>>
    %dma_start3A_308 = tpu.memref_squeeze %dma_start3A_307 : memref<1x1664x32xf32, #tpu.memory_space<vmem>> -> memref<1664x32xf32, #tpu.memory_space<vmem>>
    %dma_start3A_309 = arith.constant 11648 : i32
    %dma_start3A_310 = tpu.memref_slice %arg5[%dma_start3A_309] : memref<13312xi32, #tpu.memory_space<vmem>> -> memref<1664xi32, #tpu.memory_space<vmem>>
    %dma_start3A_311 = arith.constant 0 : i32
    %dma_start3A_312 = arith.constant 0 : i32
    %dma_start3A_313 = tpu.memref_slice %arg3[%dma_start3A_311, %dma_start3A_312] : memref<1007616x32xf32, #tpu.memory_space<hbm>> -> memref<1007616x32xf32, #tpu.memory_space<hbm>>
    tpu.enqueue_indirect_dma source(%dma_start3A_313 : memref<1007616x32xf32, #tpu.memory_space<hbm>>) target(%dma_start3A_308 : memref<1664x32xf32, #tpu.memory_space<vmem>>) offsets(%dma_start3A_310 : memref<1664xi32, #tpu.memory_space<vmem>>) semaphore(%arg8 : memref<!tpu.dma_semaphore, #tpu.memory_space<semaphore_mem>>)
    %dma_wait3A_314 = arith.constant 0 : i32
    %dma_wait3A_315 = arith.constant 0 : i32
    %dma_wait3A_316 = arith.constant 0 : i32
    %dma_wait3A_317 = tpu.memref_slice %arg6[%dma_wait3A_314, %dma_wait3A_315, %dma_wait3A_316] : memref<2x1664x32xf32, #tpu.memory_space<vmem>> -> memref<1x1664x32xf32, #tpu.memory_space<vmem>>
    %dma_wait3A_318 = tpu.memref_squeeze %dma_wait3A_317 : memref<1x1664x32xf32, #tpu.memory_space<vmem>> -> memref<1664x32xf32, #tpu.memory_space<vmem>>
    %dma_wait3A_319 = arith.constant 9984 : i32
    %dma_wait3A_320 = tpu.memref_slice %arg5[%dma_wait3A_319] : memref<13312xi32, #tpu.memory_space<vmem>> -> memref<1664xi32, #tpu.memory_space<vmem>>
    %dma_wait3A_321 = arith.constant 0 : i32
    %dma_wait3A_322 = arith.constant 0 : i32
    %dma_wait3A_323 = tpu.memref_slice %arg3[%dma_wait3A_321, %dma_wait3A_322] : memref<1007616x32xf32, #tpu.memory_space<hbm>> -> memref<1007616x32xf32, #tpu.memory_space<hbm>>
    tpu.wait_indirect_dma semaphore(%arg7 : memref<!tpu.dma_semaphore, #tpu.memory_space<semaphore_mem>>) src(%dma_wait3A_323 : memref<1007616x32xf32, #tpu.memory_space<hbm>>) dst(%dma_wait3A_318 : memref<1664x32xf32, #tpu.memory_space<vmem>>)
    %add3A_324 = arith.constant 9984 : i32
    %add3A_325 = arith.addi %mul3A_2, %add3A_324 : i32
    %dma_start3A_326 = arith.constant 0 : i32
    %dma_start3A_327 = arith.constant 0 : i32
    %dma_start3A_328 = arith.constant 0 : i32
    %dma_start3A_329 = tpu.memref_slice %arg6[%dma_start3A_326, %dma_start3A_327, %dma_start3A_328] : memref<2x1664x32xf32, #tpu.memory_space<vmem>> -> memref<1x1664x32xf32, #tpu.memory_space<vmem>>
    %dma_start3A_330 = tpu.memref_squeeze %dma_start3A_329 : memref<1x1664x32xf32, #tpu.memory_space<vmem>> -> memref<1664x32xf32, #tpu.memory_space<vmem>>
    %dma_start3A_331 = arith.constant 0 : i32
    %dma_start3A_332 = tpu.memref_slice %arg4[%add3A_325, %dma_start3A_331] : memref<425984x32xf32, #tpu.memory_space<hbm>> -> memref<1664x32xf32, #tpu.memory_space<hbm>>
    %dma_start3A_333 = arith.constant 0 : i32
    %dma_start3A_334 = tpu.memref_slice %arg4[%add3A_325, %dma_start3A_333] : memref<425984x32xf32, #tpu.memory_space<hbm>> -> memref<1664x32xf32, #tpu.memory_space<hbm>>
    %dma_start3A_335 = arith.constant 0 : i32
    %dma_start3A_336 = arith.constant 0 : i32
    %dma_start3A_337 = tpu.memref_slice %arg6[%dma_start3A_326, %dma_start3A_335, %dma_start3A_336] : memref<2x1664x32xf32, #tpu.memory_space<vmem>> -> memref<1x1664x32xf32, #tpu.memory_space<vmem>>
    %dma_start3A_338 = tpu.memref_squeeze %dma_start3A_337 : memref<1x1664x32xf32, #tpu.memory_space<vmem>> -> memref<1664x32xf32, #tpu.memory_space<vmem>>
    tpu.enqueue_dma source(%dma_start3A_338 : memref<1664x32xf32, #tpu.memory_space<vmem>>) target(%dma_start3A_334 : memref<1664x32xf32, #tpu.memory_space<hbm>>) target_semaphore(%arg9 : memref<!tpu.dma_semaphore, #tpu.memory_space<semaphore_mem>>)
    %dma_wait3A_339 = arith.constant 1 : i32
    %dma_wait3A_340 = arith.constant 0 : i32
    %dma_wait3A_341 = arith.constant 0 : i32
    %dma_wait3A_342 = tpu.memref_slice %arg6[%dma_wait3A_339, %dma_wait3A_340, %dma_wait3A_341] : memref<2x1664x32xf32, #tpu.memory_space<vmem>> -> memref<1x1664x32xf32, #tpu.memory_space<vmem>>
    %dma_wait3A_343 = tpu.memref_squeeze %dma_wait3A_342 : memref<1x1664x32xf32, #tpu.memory_space<vmem>> -> memref<1664x32xf32, #tpu.memory_space<vmem>>
    %dma_wait3A_344 = arith.constant 11648 : i32
    %dma_wait3A_345 = tpu.memref_slice %arg5[%dma_wait3A_344] : memref<13312xi32, #tpu.memory_space<vmem>> -> memref<1664xi32, #tpu.memory_space<vmem>>
    %dma_wait3A_346 = arith.constant 0 : i32
    %dma_wait3A_347 = arith.constant 0 : i32
    %dma_wait3A_348 = tpu.memref_slice %arg3[%dma_wait3A_346, %dma_wait3A_347] : memref<1007616x32xf32, #tpu.memory_space<hbm>> -> memref<1007616x32xf32, #tpu.memory_space<hbm>>
    tpu.wait_indirect_dma semaphore(%arg8 : memref<!tpu.dma_semaphore, #tpu.memory_space<semaphore_mem>>) src(%dma_wait3A_348 : memref<1007616x32xf32, #tpu.memory_space<hbm>>) dst(%dma_wait3A_343 : memref<1664x32xf32, #tpu.memory_space<vmem>>)
    %add3A_349 = arith.constant 11648 : i32
    %add3A_350 = arith.addi %mul3A_2, %add3A_349 : i32
    %dma_start3A_351 = arith.constant 1 : i32
    %dma_start3A_352 = arith.constant 0 : i32
    %dma_start3A_353 = arith.constant 0 : i32
    %dma_start3A_354 = tpu.memref_slice %arg6[%dma_start3A_351, %dma_start3A_352, %dma_start3A_353] : memref<2x1664x32xf32, #tpu.memory_space<vmem>> -> memref<1x1664x32xf32, #tpu.memory_space<vmem>>
    %dma_start3A_355 = tpu.memref_squeeze %dma_start3A_354 : memref<1x1664x32xf32, #tpu.memory_space<vmem>> -> memref<1664x32xf32, #tpu.memory_space<vmem>>
    %dma_start3A_356 = arith.constant 0 : i32
    %dma_start3A_357 = tpu.memref_slice %arg4[%add3A_350, %dma_start3A_356] : memref<425984x32xf32, #tpu.memory_space<hbm>> -> memref<1664x32xf32, #tpu.memory_space<hbm>>
    %dma_start3A_358 = arith.constant 0 : i32
    %dma_start3A_359 = tpu.memref_slice %arg4[%add3A_350, %dma_start3A_358] : memref<425984x32xf32, #tpu.memory_space<hbm>> -> memref<1664x32xf32, #tpu.memory_space<hbm>>
    %dma_start3A_360 = arith.constant 0 : i32
    %dma_start3A_361 = arith.constant 0 : i32
    %dma_start3A_362 = tpu.memref_slice %arg6[%dma_start3A_351, %dma_start3A_360, %dma_start3A_361] : memref<2x1664x32xf32, #tpu.memory_space<vmem>> -> memref<1x1664x32xf32, #tpu.memory_space<vmem>>
    %dma_start3A_363 = tpu.memref_squeeze %dma_start3A_362 : memref<1x1664x32xf32, #tpu.memory_space<vmem>> -> memref<1664x32xf32, #tpu.memory_space<vmem>>
    tpu.enqueue_dma source(%dma_start3A_363 : memref<1664x32xf32, #tpu.memory_space<vmem>>) target(%dma_start3A_359 : memref<1664x32xf32, #tpu.memory_space<hbm>>) target_semaphore(%arg10 : memref<!tpu.dma_semaphore, #tpu.memory_space<semaphore_mem>>)
    %dma_wait3A_364 = arith.constant 0 : i32
    %dma_wait3A_365 = arith.constant 0 : i32
    %dma_wait3A_366 = arith.constant 0 : i32
    %dma_wait3A_367 = tpu.memref_slice %arg6[%dma_wait3A_364, %dma_wait3A_365, %dma_wait3A_366] : memref<2x1664x32xf32, #tpu.memory_space<vmem>> -> memref<1x1664x32xf32, #tpu.memory_space<vmem>>
    %dma_wait3A_368 = tpu.memref_squeeze %dma_wait3A_367 : memref<1x1664x32xf32, #tpu.memory_space<vmem>> -> memref<1664x32xf32, #tpu.memory_space<vmem>>
    %dma_wait3A_369 = arith.constant 0 : i32
    %dma_wait3A_370 = tpu.memref_slice %arg4[%add3A_325, %dma_wait3A_369] : memref<425984x32xf32, #tpu.memory_space<hbm>> -> memref<1664x32xf32, #tpu.memory_space<hbm>>
    %dma_wait3A_371 = arith.constant 0 : i32
    %dma_wait3A_372 = tpu.memref_slice %arg4[%add3A_325, %dma_wait3A_371] : memref<425984x32xf32, #tpu.memory_space<hbm>> -> memref<1664x32xf32, #tpu.memory_space<hbm>>
    %dma_wait3A_373 = arith.constant 0 : i32
    %dma_wait3A_374 = arith.constant 0 : i32
    %dma_wait3A_375 = tpu.memref_slice %arg6[%dma_wait3A_364, %dma_wait3A_373, %dma_wait3A_374] : memref<2x1664x32xf32, #tpu.memory_space<vmem>> -> memref<1x1664x32xf32, #tpu.memory_space<vmem>>
    %dma_wait3A_376 = tpu.memref_squeeze %dma_wait3A_375 : memref<1x1664x32xf32, #tpu.memory_space<vmem>> -> memref<1664x32xf32, #tpu.memory_space<vmem>>
    tpu.wait_dma2 semaphore(%arg9 : memref<!tpu.dma_semaphore, #tpu.memory_space<semaphore_mem>>) src(%dma_wait3A_376 : memref<1664x32xf32, #tpu.memory_space<vmem>>) dst(%dma_wait3A_372 : memref<1664x32xf32, #tpu.memory_space<hbm>>)
    %dma_wait3A_377 = arith.constant 1 : i32
    %dma_wait3A_378 = arith.constant 0 : i32
    %dma_wait3A_379 = arith.constant 0 : i32
    %dma_wait3A_380 = tpu.memref_slice %arg6[%dma_wait3A_377, %dma_wait3A_378, %dma_wait3A_379] : memref<2x1664x32xf32, #tpu.memory_space<vmem>> -> memref<1x1664x32xf32, #tpu.memory_space<vmem>>
    %dma_wait3A_381 = tpu.memref_squeeze %dma_wait3A_380 : memref<1x1664x32xf32, #tpu.memory_space<vmem>> -> memref<1664x32xf32, #tpu.memory_space<vmem>>
    %dma_wait3A_382 = arith.constant 0 : i32
    %dma_wait3A_383 = tpu.memref_slice %arg4[%add3A_350, %dma_wait3A_382] : memref<425984x32xf32, #tpu.memory_space<hbm>> -> memref<1664x32xf32, #tpu.memory_space<hbm>>
    %dma_wait3A_384 = arith.constant 0 : i32
    %dma_wait3A_385 = tpu.memref_slice %arg4[%add3A_350, %dma_wait3A_384] : memref<425984x32xf32, #tpu.memory_space<hbm>> -> memref<1664x32xf32, #tpu.memory_space<hbm>>
    %dma_wait3A_386 = arith.constant 0 : i32
    %dma_wait3A_387 = arith.constant 0 : i32
    %dma_wait3A_388 = tpu.memref_slice %arg6[%dma_wait3A_377, %dma_wait3A_386, %dma_wait3A_387] : memref<2x1664x32xf32, #tpu.memory_space<vmem>> -> memref<1x1664x32xf32, #tpu.memory_space<vmem>>
    %dma_wait3A_389 = tpu.memref_squeeze %dma_wait3A_388 : memref<1x1664x32xf32, #tpu.memory_space<vmem>> -> memref<1664x32xf32, #tpu.memory_space<vmem>>
    tpu.wait_dma2 semaphore(%arg10 : memref<!tpu.dma_semaphore, #tpu.memory_space<semaphore_mem>>) src(%dma_wait3A_389 : memref<1664x32xf32, #tpu.memory_space<vmem>>) dst(%dma_wait3A_385 : memref<1664x32xf32, #tpu.memory_space<hbm>>)
    return
  }
}

module attributes {stable_mosaic.version = 14 : i64} {
  func.func @_repack_body(%arg0: i32, %arg1: memref<32x8192xf32, #tpu.memory_space<vmem>>, %arg2: memref<2048x128xf32, #tpu.memory_space<vmem>>) attributes {dimension_semantics = [#tpu.dimension_semantics<arbitrary>], iteration_bounds = array<i64: 123>, scalar_prefetch = 0 : i64, scratch_operands = 0 : i64, tpu.core_type = #tpu.core_type<tc>, window_params = [{transform_indices = @transform_0, window_bounds = array<i64: 32, 8192>}, {transform_indices = @transform_1, window_bounds = array<i64: 2048, 128>}]} {
    %get3A = arith.constant 0 : index
    %get3A_0 = arith.constant 0 : index
    %get3A_1 = vector.load %arg1[%get3A, %get3A_0] : memref<32x8192xf32, #tpu.memory_space<vmem>>, vector<32x8192xf32>
    %iota3A = tpu.iota {dimensions = array<i32: 0>} : vector<32x32xi32>
    %iota3A_2 = tpu.iota {dimensions = array<i32: 1>} : vector<32x32xi32>
    %eq3A = arith.cmpi eq, %iota3A, %iota3A_2 : vector<32x32xi32>
    %convert_element_type3A = arith.extui %eq3A : vector<32x32xi1> to vector<32x32xi32>
    %convert_element_type3A_3 = arith.sitofp %convert_element_type3A : vector<32x32xi32> to vector<32x32xf32>
    %dot_general3A = arith.constant dense<0.000000e+00> : vector<8192x32xf32>
    %dot_general3A_4 = tpu.matmul %get3A_1, %convert_element_type3A_3, %dot_general3A {dimension_numbers = #tpu.dot_dimension_numbers<[0], [0], [1], [1], [0, 1, 1, 1], [], []>, transpose_lhs_hint = false} : vector<32x8192xf32>, vector<32x32xf32>, vector<8192x32xf32> -> vector<8192x32xf32>
    %slice3A = vector.extract_strided_slice %dot_general3A_4 {offsets = [0, 0], sizes = [2048, 32], strides = [1, 1]} : vector<8192x32xf32> to vector<2048x32xf32>
    %swap3A = arith.constant 0 : index
    %swap3A_5 = arith.constant 0 : index
    %swap3A_6 = vector.load %arg2[%swap3A, %swap3A_5] : memref<2048x128xf32, #tpu.memory_space<vmem>>, vector<2048x32xf32>
    tpu.vector_store %arg2[%swap3A, %swap3A_5], %slice3A {strides = array<i32>} : memref<2048x128xf32, #tpu.memory_space<vmem>>, vector<2048x32xf32>,
    %slice3A_7 = vector.extract_strided_slice %dot_general3A_4 {offsets = [2048, 0], sizes = [2048, 32], strides = [1, 1]} : vector<8192x32xf32> to vector<2048x32xf32>
    %swap3A_8 = arith.constant 0 : index
    %swap3A_9 = arith.constant 32 : index
    %swap3A_10 = vector.load %arg2[%swap3A_8, %swap3A_9] : memref<2048x128xf32, #tpu.memory_space<vmem>>, vector<2048x32xf32>
    tpu.vector_store %arg2[%swap3A_8, %swap3A_9], %slice3A_7 {strides = array<i32>} : memref<2048x128xf32, #tpu.memory_space<vmem>>, vector<2048x32xf32>,
    %slice3A_11 = vector.extract_strided_slice %dot_general3A_4 {offsets = [4096, 0], sizes = [2048, 32], strides = [1, 1]} : vector<8192x32xf32> to vector<2048x32xf32>
    %swap3A_12 = arith.constant 0 : index
    %swap3A_13 = arith.constant 64 : index
    %swap3A_14 = vector.load %arg2[%swap3A_12, %swap3A_13] : memref<2048x128xf32, #tpu.memory_space<vmem>>, vector<2048x32xf32>
    tpu.vector_store %arg2[%swap3A_12, %swap3A_13], %slice3A_11 {strides = array<i32>} : memref<2048x128xf32, #tpu.memory_space<vmem>>, vector<2048x32xf32>,
    %slice3A_15 = vector.extract_strided_slice %dot_general3A_4 {offsets = [6144, 0], sizes = [2048, 32], strides = [1, 1]} : vector<8192x32xf32> to vector<2048x32xf32>
    %swap3A_16 = arith.constant 0 : index
    %swap3A_17 = arith.constant 96 : index
    %swap3A_18 = vector.load %arg2[%swap3A_16, %swap3A_17] : memref<2048x128xf32, #tpu.memory_space<vmem>>, vector<2048x32xf32>
    tpu.vector_store %arg2[%swap3A_16, %swap3A_17], %slice3A_15 {strides = array<i32>} : memref<2048x128xf32, #tpu.memory_space<vmem>>, vector<2048x32xf32>,
    return
  }
  func.func @transform_0(%arg0: i32) -> (i32, i32) {
    %c0_i32 = arith.constant 0 : i32
    %c0_i32_0 = arith.constant 0 : i32
    return %c0_i32, %arg0 : i32, i32
  }
  func.func @transform_1(%arg0: i32) -> (i32, i32) {
    %c0_i32 = arith.constant 0 : i32
    %c0_i32_0 = arith.constant 0 : i32
    return %arg0, %c0_i32 : i32, i32
  }
}

</mosaic_0001>

<sc_bundles>
// kernel: kernel.4.cloned.1.call-start
scs
__scs_entry_jumppad:
0x0: {  	(pc) =	sbr.rel $0x88, $3  }
0x1: {  	(tag) =	ssettag $0x0;
	lr =	simm.s32 $0x1  }
0x2: {  	[smem:$0x3F9F] =	sst lr;
	_ =	strace $0xD0000000  }
0x3: {  	_ = 	snop  }
0x4: {  	_ = 	snop  }
0x5: {  	_ = 	snop  }
0x6: {  	_ = 	snop  }
0x7: {  	_ = 	snop  }
__scs_overlays_trampoline_lowered:
0x8: {  	[smem:$0x3FAE] =	sst s0  }
0x9: {  	[smem:$0x3FAF] =	sst s1  }
0xa: {  	[smem:$0x3FB0] =	sst s2  }
0xb: {  	[smem:$0x3FB1] =	sst s3  }
0xc: {  	[smem:$0x3FB2] =	sst s4  }
0xd: {  	[smem:$0x3FB3] =	sst s5  }
0xe: {  	[smem:$0x3FB4] =	sst s6  }
0xf: {  	[smem:$0x3FB5] =	sst s7  }
0x10: {  	[smem:$0x3FB6] =	sst s8  }
0x11: {  	[smem:$0x3FB7] =	sst s9;
	s0 =	simm.s32 @!p0 $0x0  }
0x12: {  	s1 =	sld [smem:$0x3F9D];
	s0 =	simm.s32 @p0 $0x1  }
0x13: {  	[smem:$0x3FB8] =	sst s0;
	s0 =	simm.s32 @!p1 $0x0  }
0x14: {  	s2 =	sld [smem:$0x3F9C];
	s0 =	simm.s32 @p1 $0x1  }
0x15: {  	[smem:$0x3FB9] =	sst s0;
	s0 =	simm.s32 @!p2 $0x0  }
0x16: {  	s3 =	sld [smem:$0x3FDB];
	s0 =	simm.s32 @p2 $0x1  }
0x17: {  	s4 =	simm.s32 $0x1BF5;
	[smem:$0x3FBB] =	sst s0  }
0x18: {  	s0 =	sld [smem:$0x3F9E];
	_ =	swait.ge [sflag:s4], $0x0  }
0x19: {  	s7 =	sld [smem:$0x3F9F]  }
0x1a: {  	s8 =	sadd.s32 $0xFFFFE003, lr  }
0x1b: {  	s9 =	sadd.s32 $0xFFFFFEF7, lr;
	s5 =	simm.s32 $0xFFFFFFFF;
	p2 =	slt.u32 s8, $0xFFFFF086  }
0x1c: {  	p1 =	slt.u32 s9, $0xF7A;
	s5 =	simm.s32 @!p2 $0x0  }
0x1d: {  	s5 =	simm.s32 @p1 $0x1;
	p0 =	seq.s32 s7, s2  }
0x1e: {  	s7 =	smul.u32 @!p0 $0xF7A, s2;
	p2 =	seq.s32 @!p0 s5, $0x0  }
0x1f: {  	s9 =	smul.u32 $0xF7A, s1;
	s8 =	simm.s32 @!p0 $0x1BF5;
	p2 =	por !p2, p0  }
0x20: {  	[sflag:s8] =	ssyncset.s32 @!p0 $0xFFFFF086;
	s6 =	sadd.s32 @!p0 s3, s7;
	s7 =	simm.s32 @!p0 $0x108  }
0x21: {  	s3 =	sadd.s32 s3, s9;
	s6 =	sadd.s32 @!p0 $0x88, s6;
	s7 =	simm.s32 @p2 $0x1082  }
0x22: {  	[simem:s7], [sflag:s8] =	dma.local @!p0 [hbm:s6], $0xF7A  }
0x23: {  	s9 =	sor.u32 $0xD0000000, s2;
	s6 =	simm.s32 $0x108;
	_ =	swait.ge @!p0 [sflag:s8], $0x0  }
0x24: {  	s3 =	sadd.s32 $0x88, s3;
	s6 =	simm.s32 @!p1 $0x1082;
	[sflag:s4] =	ssyncset.s32 $0xFFFFF086  }
0x25: {  	[simem:s6], [sflag:s4] =	dma.local [hbm:s3], $0xF7A  }
0x26: {  	[smem:$0x3F9F] =	sst s1;
	(tag) =	ssettag s2;
	_ =	strace s9  }
0x27: {  	s1 =	sld [smem:$0x3FAF]  }
0x28: {  	s2 =	sld [smem:$0x3FB0]  }
0x29: {  	s4 =	sld [smem:$0x3FB2]  }
0x2a: {  	p0 =	seq.s32 s5, $0x0;
	s5 =	sld [smem:$0x3FB3]  }
0x2b: {  	s6 =	sld [smem:$0x3FB4]  }
0x2c: {  	s7 =	sld [smem:$0x3FB5]  }
0x2d: {  	s3 =	simm.s32 $0x108;
	s8 =	sld [smem:$0x3FB6]  }
0x2e: {  	s3 =	simm.s32 @!p0 $0x1082;
	s9 =	sld [smem:$0x3FB7]  }
0x2f: {  	lr =	sadd.s32 s0, s3;
	s0 =	sld [smem:$0x3FAE]  }
0x30: {  	s3 =	sld [smem:$0x3FB1]  }
0x31: {  	[smem:$0x3FBA] =	sst s10  }
0x32: {  	s10 =	sld [smem:$0x3FB8];
	_ =	sdelay $0x3  }
0x33: {  	p0 =	seq.s32 s10, $0x1;
	s10 =	sld [smem:$0x3FBA];
	_ =	sdelay $0x3  }
0x34: {  	[smem:$0x3FBA] =	sst s10  }
0x35: {  	s10 =	sld [smem:$0x3FB9];
	_ =	sdelay $0x3  }
0x36: {  	p1 =	seq.s32 s10, $0x1;
	s10 =	sld [smem:$0x3FBA];
	_ =	sdelay $0x3  }
0x37: {  	[smem:$0x3FBA] =	sst s10  }
0x38: {  	s10 =	sld [smem:$0x3FBB]  }
0x39: {  	_ = 	snop;
	(pc) =	sbr.ind lr, $3  }
0x3a: {  	_ = 	snop  }
0x3b: {  	_ = 	snop  }
0x3c: {  	p2 =	seq.s32 s10, $0x1;
	s10 =	sld [smem:$0x3FBA]  }
0x3d: {  	_ =	shalt  }
0x3e: {  	_ =	shalt  }
0x3f: {  	_ =	shalt  }
0x40: {  	_ =	shalt  }
0x41: {  	_ =	shalt  }
0x42: {  	_ =	shalt  }
0x43: {  	_ =	shalt  }
0x44: {  	_ =	shalt  }
0x45: {  	_ =	shalt  }
0x46: {  	_ =	shalt  }
0x47: {  	_ =	shalt  }
0x48: {  	_ =	shalt  }
0x49: {  	_ =	shalt  }
0x4a: {  	_ =	shalt  }
0x4b: {  	_ =	shalt  }
0x4c: {  	_ =	shalt  }
0x4d: {  	_ =	shalt  }
0x4e: {  	_ =	shalt  }
0x4f: {  	_ =	shalt  }
0x50: {  	_ =	shalt  }
0x51: {  	_ =	shalt  }
0x52: {  	_ =	shalt  }
0x53: {  	_ =	shalt  }
0x54: {  	_ =	shalt  }
0x55: {  	_ =	shalt  }
0x56: {  	_ =	shalt  }
0x57: {  	_ =	shalt  }
0x58: {  	_ =	shalt  }
0x59: {  	_ =	shalt  }
0x5a: {  	_ =	shalt  }
0x5b: {  	_ =	shalt  }
0x5c: {  	_ =	shalt  }
0x5d: {  	_ =	shalt  }
0x5e: {  	_ =	shalt  }
0x5f: {  	_ =	shalt  }
0x60: {  	_ =	shalt  }
0x61: {  	_ =	shalt  }
0x62: {  	_ =	shalt  }
0x63: {  	_ =	shalt  }
0x64: {  	_ =	shalt  }
0x65: {  	_ =	shalt  }
0x66: {  	_ =	shalt  }
0x67: {  	_ =	shalt  }
0x68: {  	_ =	shalt  }
0x69: {  	_ =	shalt  }
0x6a: {  	_ =	shalt  }
0x6b: {  	_ =	shalt  }
0x6c: {  	_ =	shalt  }
0x6d: {  	_ =	shalt  }
0x6e: {  	_ =	shalt  }
0x6f: {  	_ =	shalt  }
0x70: {  	_ =	shalt  }
0x71: {  	_ =	shalt  }
0x72: {  	_ =	shalt  }
0x73: {  	_ =	shalt  }
0x74: {  	_ =	shalt  }
0x75: {  	_ =	shalt  }
0x76: {  	_ =	shalt  }
0x77: {  	_ =	shalt  }
0x78: {  	_ =	shalt  }
0x79: {  	_ =	shalt  }
0x7a: {  	_ =	shalt  }
0x7b: {  	_ =	shalt  }
0x7c: {  	_ =	shalt  }
0x7d: {  	_ =	shalt  }
0x7e: {  	_ =	shalt  }
0x7f: {  	_ =	shalt  }
0x80: {  	_ =	shalt  }
0x81: {  	_ =	shalt  }
0x82: {  	_ =	shalt  }
0x83: {  	_ =	shalt  }
0x84: {  	_ =	shalt  }
0x85: {  	_ =	shalt  }
0x86: {  	_ =	shalt  }
0x87: {  	_ =	shalt  }
.Lfunc_end0:
.L_simem_size_0:
called_computation.1_lowered:
.L_overlay_start_0:
0x88: {  	s2 =	sld [smem:$0x3FD9]  }
0x89: {  	s3 =	sld [smem:$0x3FFE];
	_ =	sdelay $0x1  }
0x8a: {  	s1 =	srdreg.scid  }
0x8b: {  	s0 =	sand.u32 $0x1, s1  }
0x8c: {  	s17 =	sshll.u32 s0, $0xA;
	s2 =	sadd.s32 s3, s2  }
0x8d: {  	s2 =	sadd.s32 s2, s17  }
0x8e: {  	[smem:$0x3FC6] =	sst s2  }
0x8f: {  	_ = 	snop  }
0x90: {  	s2 =	sld [smem:$0x3FD0];
	(tm) =	ssettm $0x1  }
0x91: {  	s18 =	sld [smem:$0x3FFB];
	_ =	sdelay $0x3  }
0x92: {  	_ =	strace s18  }
0x93: {  	s3 =	sld [smem:$0x3FFC];
	_ =	sdelay $0x3  }
0x94: {  	_ =	strace s3  }
0x95: {  	s3 =	sld [smem:$0x3FFD];
	_ =	sdelay $0x3  }
0x96: {  	_ =	strace s3  }
0x97: {  	_ =	strace $0x8FFFFFFF  }
0x98: {  	s19 =	sld [smem:$0x3FDB];
	_ =	sdelay $0x1  }
0x99: {  	s4 =	simm.s32 $_scs_section_size  }
0x9a: {  	s5 =	simm.s32 $_size__tile_overlayer_lowered;
	s6 =	simm.s32 $_tile_overlayer_lowered  }
0x9b: {  	s22 =	simm.s32 $0x1BFF;
	s21 =	sshll.u32 s6, $0x1;
	s3 =	sadd.s32 s4, s19  }
0x9c: {  	s7 =	simm.s32 $0x0;
	s20 =	sshll.u32 s5, $0x1;
	s5 =	sadd.s32 s21, s3  }
0x9d: {  	[timem:s7], [sflag:s22] =	dma.local [hbm:s5], s20  }
0x9e: {  	_ =	swait.ge [sflag:s22], s20  }
0x9f: {  	s4 =	ssub.s32 $0x0, s20;
	[sflag:s22] =	ssyncset.done $0x0  }
0xa0: {  	[sflag:s22] =	ssyncadd.s32 s4;
	_ =	sdelay $0x1  }
0xa1: {  	s23 =	simm.s32 $0x1B8B  }
0xa2: {  	_ =	swait.ge [sflag:s23], $0x1  }
0xa3: {  	[sflag:s23] =	ssyncset.done $0x0  }
0xa4: {  	s25 =	simm.s32 $0x1B8E;
	s24 =	sld [smem:$0x3FFE];
	[sflag:s23] =	ssyncadd.s32 $0xFFFFFFFF  }
0xa5: {  	s26 =	simm.s32 $execute0_lowered;
	[smem:$0x3FD2] =	sst s25  }
0xa6: {  	s5 =	sshll.u32 s26, $0x1;
	_ =	strace $0x80000046;
	[dreg:$0x1] =	wrdreg $0xFFFFFFFF  }
0xa7: {  	s28 =	simm.s32 $_size_execute0_lowered;
	s3 =	sadd.s32 s3, s5;
	[dreg:$0x0] =	wrdreg $0x0  }
0xa8: {  	s5 =	sshll.u32 s28, $0x1;
	[dreg:$0x2] =	wrdreg s3  }
0xa9: {  	[dreg:$0x3] =	wrdreg s5  }
0xaa: {  	[dreg:$0x4] =	wrdreg $0xC0  }
0xab: {  	_ =	task [dreg:s7], $0x5FFFF  }
0xac: {  	[dreg:$0x1] =	wrdreg $0xFFFFFFFF  }
0xad: {  	[dreg:$0x0] =	wrdreg $0x60  }
0xae: {  	[dreg:$0x2] =	wrdreg s24  }
0xaf: {  	[dreg:$0x3] =	wrdreg s2  }
0xb0: {  	[dreg:$0x4] =	wrdreg $0x9  }
0xb1: {  	_ =	task.clear_ibuf [dreg:s7], $0x5FFFF;
	_ =	strace $0x90000046  }
0xb2: {  	s29 =	simm.s32 $0x9;
	_ =	strace $0x80000048  }
0xb3: {  	_ =	swait.ge [sflag:s29], $0x1  }
0xb4: {  	[sflag:s29] =	ssyncadd.s32 $0xFFFFFFFF  }
0xb5: {  	_ =	strace $0x90000048  }
0xb6: {  	_ =	sfence  }
0xb7: {  	s30 =	sld [smem:$0x0];
	_ =	sdelay $0x2  }
0xb8: {  	s31 =	sshll.u32 s1, $0xD;
	s1 =	sshrl.u32 s1, $0x2  }
0xb9: {  	s3 =	sand.u32 $0x4000, s31;
	s1 =	sadd.s32 s1, s30  }
0xba: {  	s0 =	sor.u32 s3, s0;
	s1 =	sshll.u32 s1, $0x11  }
0xbb: {  	s0 =	sor.u32 s1, s0  }
0xbc: {  	s0 =	sadd.s32 $0x8F2B, s0  }
0xbd: {  	[sflag:s0] =	ssyncadd.remote.s32 $0x1  }
0xbe: {  	_ =	sfence.sel $0xFFFF  }
0xbf: {  	[dreg:$0x0] =	wrdreg $0xFFFFFFFF;
	(pc) =	sbr.abs _section_cstart, $3  }
0xc0: {  	[dreg:$0x1] =	wrdreg $0xFFFFFFFF  }
0xc1: {  	_ =	task.clear_ibuf [dreg:s7], $0x2FFFF;
	_ =	strace $0x9FFFFFFF  }
0xc2: {  	(tm) =	ssettm $0x7FFFFFFF  }
0xc3: {  	_ =	shalt  }
tec
execute0_lowered:
.L_overlay_start_1:
0x0: {  	(tag) =	ssettag $0x1  }
0x1: {  	s1 =	rddreg [dreg:$0x0]  }
0x2: {  	s2 =	srdreg.scid;
	s0 =	stileid.u32  }
0x3: {  	s5 =	rddreg [dreg:$0x1];
	s14 =	simm.s32 $0x5;
	s15 =	simm.s32 $0x680  }
0x4: {  	s16 =	simm.s32 $0x3400;
	s17 =	simm.s32 $0x10400;
	s18 =	simm.s32 $0x1  }
0x5: {  	s19 =	simm.s32 $0x3;
	s20 =	simm.s32 $0xD00;
	s21 =	simm.s32 $0x2  }
0x6: {  	s22 =	simm.s32 $0x4;
	s23 =	simm.s32 $0x1380;
	s24 =	simm.s32 $0x1A00  }
0x7: {  	s25 =	simm.s32 $0x2080;
	s4 =	sand.u32 $0x1, s2;
	s3 =	sshll.u32 s0, $0x1  }
0x8: {  	s26 =	simm.s32 $0x2700;
	s28 =	simm.s32 $0x2D80;
	s6 =	sor.u32 s4, s3  }
0x9: {  	s29 =	simm.s32 $0x0;
	s2 =	simm.s32 $0x0;
	s3 =	smul.u32 $0x680, s6  }
0xa: {  	[smem:$0x7FF] =	sst s2;
	s31 =	ssub.s32 $0x2, s4;
	s7 =	smul.u32 $0x68000, s6  }
0xb: {  	_ =	strace $0x80000047;
	s4 =	sshrl.u32 s31, $0x1;
	s6 =	smul.u32 $0xD000, s6  }
0xc: {  	s8 =	sadd.s32 s3, s1;
	s3 =	sadd.s32 $0xD800, s1;
	s7 =	sshrl.u32 s7, $0x3  }
0xd: {  	s1 =	ssub.s32 s31, s4;
	s4 =	sadd.s32 $0x800, s8;
	s12 =	sadd.s32 s5, s7  }
0xe: {  	s5 =	sadd.s32 s5, s6;
	s13 =	smax.u32 s1, $0x1;
	s6 =	sadd.s32 $0x1A00, s12  }
0xf: {  	s7 =	sadd.s32 $0x3400, s12;
	s8 =	sadd.s32 $0x4E00, s12;
	s9 =	sadd.s32 $0x6800, s12  }
0x10: {  	s10 =	sadd.s32 $0x8200, s12;
	s11 =	sadd.s32 $0x9C00, s12;
	s12 =	sadd.s32 $0xB600, s12  }
.LBB2_1:
0x11: {  	[tilespmem:s2], [sflag:$0x5] =	stream.linear.gather [hbm4b:s4+s2], $0x3400, $0x38;
	[tilespmem:$0x1D400] =	vst v63  }
0x12: {  	_ =	swait.ge [sflag:s14], $0x3400  }
0x13: {  	[sflag:s14] =	ssyncset.done $0x0  }
0x14: {  	s31 =	simm.s32 $0x0;
	[sflag:s14] =	ssyncadd.s32 $0xFFFFCC00  }
0x15: {  	v0 =	vld [tilespmem:s31+$0x30];
	_ =	sdelay $0x4  }
0x16: {  	v1 =	vld [tilespmem:s31+$0x0];
	v2 =	vshll.u32 v0, $0x2  }
0x17: {  	v3 =	vand.u32 $0xFFFFE000, v0;
	v0 =	vshrl.u32 v0, $0xB;
	v2 =	vand.u32 $0x1FFC, v2  }
0x18: {  	v0 =	vand.u32 $0x3, v0;
	v2 =	vor.u32 v3, v2  }
0x19: {  	v3 =	vld [tilespmem:s31+$0x10];
	v0 =	vor.u32 v0, v2  }
0x1a: {  	s30 =	simm.s32 $0x40;
	[tilespmem:s31+$0x30] =	vst v0  }
0x1b: {  	v2 =	vshll.u32 v1, $0x2;
	v0 =	vld [tilespmem:s30+$0x30]  }
0x1c: {  	v4 =	vshrl.u32 v1, $0xB;
	v1 =	vand.u32 $0xFFFFE000, v1;
	v2 =	vand.u32 $0x1FFC, v2  }
0x1d: {  	v1 =	vor.u32 v1, v2;
	v2 =	vand.u32 $0x3, v4  }
0x1e: {  	v1 =	vor.u32 v2, v1;
	v2 =	vld [tilespmem:s31+$0x20];
	v4 =	vshll.u32 v3, $0x2;
	v5 =	vshrl.u32 v3, $0xB  }
0x1f: {  	v3 =	vand.u32 $0xFFFFE000, v3;
	[tilespmem:s31+$0x0] =	vst v1;
	v4 =	vand.u32 $0x1FFC, v4;
	v5 =	vand.u32 $0x3, v5  }
0x20: {  	v1 =	vld [tilespmem:s30+$0x0];
	v3 =	vor.u32 v3, v4;
	v6 =	vand.u32 $0xFFFFE000, v0;
	v7 =	vshll.u32 v0, $0x2  }
0x21: {  	v0 =	vshrl.u32 v0, $0xB;
	v3 =	vor.u32 v5, v3;
	v4 =	vand.u32 $0x1FFC, v7  }
0x22: {  	v5 =	vand.u32 $0x3, v0;
	[tilespmem:s31+$0x10] =	vst v3;
	v4 =	vor.u32 v6, v4  }
0x23: {  	s1 =	simm.s32 $0x200;
	v0 =	vld [tilespmem:s30+$0x10];
	v3 =	vor.u32 v5, v4;
	v4 =	vshll.u32 v2, $0x2;
	v5 =	vshrl.u32 v2, $0xB  }
.LBB2_2:
0x24: {  	s0 =	sshra.s32 s1, $0x2;
	p0 =	sne.s32 s1, $0xCF00;
	s1 =	sadd.s32 $0x100, s1;
	[tilespmem:s30+$0x30] =	vst v3;
	v2 =	vand.u32 $0xFFFFE000, v2;
	v3 =	vand.u32 $0x1FFC, v4;
	v4 =	vand.u32 $0x3, v5  }
0x25: {  	v5 =	vld [tilespmem:s0+$0x30];
	v6 =	vshll.u32 v1, $0x2;
	v7 =	vshrl.u32 v1, $0xB;
	v2 =	vor.u32 v2, v3  }
0x26: {  	v1 =	vand.u32 $0xFFFFE000, v1;
	v3 =	vand.u32 $0x1FFC, v6;
	v2 =	vor.u32 v4, v2  }
0x27: {  	v1 =	vor.u32 v1, v3;
	v3 =	vand.u32 $0x3, v7;
	[tilespmem:s31+$0x20] =	vst v2;
	s31 =	smov.u32 s30;
	s30 =	smov.u32 s0  }
0x28: {  	v1 =	vor.u32 v3, v1;
	v3 =	vshll.u32 v0, $0x2;
	v4 =	vshrl.u32 v0, $0xB;
	v2 =	vld [tilespmem:s31+$0x20]  }
.Ltmp0:
0x29: {  	v0 =	vand.u32 $0xFFFFE000, v0;
	[tilespmem:s31+$0x0] =	vst v1;
	v3 =	vand.u32 $0x1FFC, v3;
	v4 =	vand.u32 $0x3, v4;
	(pc) =	sbr.rel @p0 .LBB2_2-.Ltmp0, $4  }
0x2a: {  	v1 =	vld [tilespmem:s30+$0x0];
	v6 =	vand.u32 $0xFFFFE000, v5;
	v7 =	vshll.u32 v5, $0x2;
	v0 =	vor.u32 v0, v3  }
0x2b: {  	v5 =	vshrl.u32 v5, $0xB;
	v3 =	vand.u32 $0x1FFC, v7;
	v0 =	vor.u32 v4, v0  }
0x2c: {  	v4 =	vand.u32 $0x3, v5;
	v3 =	vor.u32 v6, v3;
	[tilespmem:s31+$0x10] =	vst v0  }
0x2d: {  	v0 =	vld [tilespmem:s30+$0x10];
	v3 =	vor.u32 v4, v3;
	v4 =	vshll.u32 v2, $0x2;
	v5 =	vshrl.u32 v2, $0xB  }
0x2e: {  	v2 =	vand.u32 $0xFFFFE000, v2;
	v4 =	vand.u32 $0x1FFC, v4  }
0x2f: {  	v5 =	vand.u32 $0x3, v5;
	v2 =	vor.u32 v2, v4  }
0x30: {  	[tilespmem:s30+$0x30] =	vst v3;
	v2 =	vor.u32 v5, v2  }
0x31: {  	[tilespmem:s31+$0x20] =	vst v2  }
0x32: {  	v53 =	vld [tilespmem:s30+$0x20]  }
0x33: {  	v52 =	vshll.u32 v1, $0x2;
	v54 =	vshrl.u32 v1, $0xB  }
0x34: {  	v55 =	vand.u32 $0xFFFFE000, v1;
	v56 =	vand.u32 $0x3, v54;
	v2 =	vand.u32 $0x1FFC, v52  }
0x35: {  	v1 =	vor.u32 v55, v2;
	v57 =	vshll.u32 v0, $0x2;
	v58 =	vshrl.u32 v0, $0xB  }
0x36: {  	v59 =	vand.u32 $0xFFFFE000, v0;
	v1 =	vor.u32 v56, v1;
	v2 =	vand.u32 $0x1FFC, v57  }
0x37: {  	v4 =	vand.u32 $0x3, v58;
	v0 =	vor.u32 v59, v2;
	v60 =	vshll.u32 v53, $0x2  }
0x38: {  	v61 =	vshrl.u32 v53, $0xB;
	v3 =	vand.u32 $0xFFFFE000, v53;
	v2 =	vand.u32 $0x1FFC, v60  }
0x39: {  	[tilespmem:s30+$0x0] =	vst v1;
	v0 =	vor.u32 v4, v0;
	v62 =	vand.u32 $0x3, v61;
	v2 =	vor.u32 v3, v2  }
0x3a: {  	[tilespmem:s30+$0x10] =	vst v0;
	v63 =	vor.u32 v62, v2  }
0x3b: {  	[tilespmem:s30+$0x20] =	vst v63  }
0x3c: {  	[tilespmem:s16], [sflag:$0x1] =	stream.indirect.gather [hbm4b:s3+s15], $0x20, s2, s15, $0xb8;
	[tilespmem:$0x1D400] =	vst v63  }
0x3d: {  	_ = 	snop  }
0x3e: {  	[tilespmem:s17], [sflag:$0x2] =	stream.indirect.gather [hbm4b:s3+s15], $0x20, s15, s15, $0xb8;
	[tilespmem:$0x1D400] =	vst v63  }
0x3f: {  	_ =	swait.ge [sflag:s18], $0xD000  }
0x40: {  	[sflag:s18] =	ssyncset.done $0x0  }
0x41: {  	[sflag:s18] =	ssyncadd.s32 $0xFFFF3000  }
0x42: {  	[hbm4b:s5+s2] =	stream.linear.scatter [tilespmem:s16], [sflag:$0x3], $0xD000, $0x38;
	[tilespmem:$0x1D400] =	vst v63  }
0x43: {  	_ =	swait.ge [sflag:s19], $0xD000  }
0x44: {  	[sflag:s19] =	ssyncset.done $0x0  }
0x45: {  	[sflag:s19] =	ssyncadd.s32 $0xFFFF3000  }
0x46: {  	[tilespmem:s16], [sflag:$0x1] =	stream.indirect.gather [hbm4b:s3+s15], $0x20, s20, s15, $0xb8;
	[tilespmem:$0x1D400] =	vst v63  }
0x47: {  	_ =	swait.ge [sflag:s21], $0xD000  }
0x48: {  	[sflag:s21] =	ssyncset.done $0x0  }
0x49: {  	[sflag:s21] =	ssyncadd.s32 $0xFFFF3000  }
0x4a: {  	[hbm4b:s6+s2] =	stream.linear.scatter [tilespmem:s17], [sflag:$0x4], $0xD000, $0x38;
	[tilespmem:$0x1D400] =	vst v63  }
0x4b: {  	_ =	swait.ge [sflag:s22], $0xD000  }
0x4c: {  	[sflag:s22] =	ssyncset.done $0x0  }
0x4d: {  	[sflag:s22] =	ssyncadd.s32 $0xFFFF3000  }
0x4e: {  	[tilespmem:s17], [sflag:$0x2] =	stream.indirect.gather [hbm4b:s3+s15], $0x20, s23, s15, $0xb8;
	[tilespmem:$0x1D400] =	vst v63  }
0x4f: {  	_ =	swait.ge [sflag:s18], $0xD000  }
0x50: {  	[sflag:s18] =	ssyncset.done $0x0  }
0x51: {  	[sflag:s18] =	ssyncadd.s32 $0xFFFF3000  }
0x52: {  	[hbm4b:s7+s2] =	stream.linear.scatter [tilespmem:s16], [sflag:$0x3], $0xD000, $0x38;
	[tilespmem:$0x1D400] =	vst v63  }
0x53: {  	_ =	swait.ge [sflag:s19], $0xD000  }
0x54: {  	[sflag:s19] =	ssyncset.done $0x0  }
0x55: {  	[sflag:s19] =	ssyncadd.s32 $0xFFFF3000  }
0x56: {  	[tilespmem:s16], [sflag:$0x1] =	stream.indirect.gather [hbm4b:s3+s15], $0x20, s24, s15, $0xb8;
	[tilespmem:$0x1D400] =	vst v63  }
0x57: {  	_ =	swait.ge [sflag:s21], $0xD000  }
0x58: {  	[sflag:s21] =	ssyncset.done $0x0  }
0x59: {  	[sflag:s21] =	ssyncadd.s32 $0xFFFF3000  }
0x5a: {  	[hbm4b:s8+s2] =	stream.linear.scatter [tilespmem:s17], [sflag:$0x4], $0xD000, $0x38;
	[tilespmem:$0x1D400] =	vst v63  }
0x5b: {  	_ =	swait.ge [sflag:s22], $0xD000  }
0x5c: {  	[sflag:s22] =	ssyncset.done $0x0  }
0x5d: {  	[sflag:s22] =	ssyncadd.s32 $0xFFFF3000  }
0x5e: {  	[tilespmem:s17], [sflag:$0x2] =	stream.indirect.gather [hbm4b:s3+s15], $0x20, s25, s15, $0xb8;
	[tilespmem:$0x1D400] =	vst v63  }
0x5f: {  	_ =	swait.ge [sflag:s18], $0xD000  }
0x60: {  	[sflag:s18] =	ssyncset.done $0x0  }
0x61: {  	[sflag:s18] =	ssyncadd.s32 $0xFFFF3000  }
0x62: {  	[hbm4b:s9+s2] =	stream.linear.scatter [tilespmem:s16], [sflag:$0x3], $0xD000, $0x38;
	[tilespmem:$0x1D400] =	vst v63  }
0x63: {  	_ =	swait.ge [sflag:s19], $0xD000  }
0x64: {  	[sflag:s19] =	ssyncset.done $0x0  }
0x65: {  	[sflag:s19] =	ssyncadd.s32 $0xFFFF3000  }
0x66: {  	[tilespmem:s16], [sflag:$0x1] =	stream.indirect.gather [hbm4b:s3+s15], $0x20, s26, s15, $0xb8;
	[tilespmem:$0x1D400] =	vst v63  }
0x67: {  	_ =	swait.ge [sflag:s21], $0xD000  }
0x68: {  	[sflag:s21] =	ssyncset.done $0x0  }
0x69: {  	[sflag:s21] =	ssyncadd.s32 $0xFFFF3000  }
0x6a: {  	[hbm4b:s10+s2] =	stream.linear.scatter [tilespmem:s17], [sflag:$0x4], $0xD000, $0x38;
	[tilespmem:$0x1D400] =	vst v63  }
0x6b: {  	_ =	swait.ge [sflag:s22], $0xD000  }
0x6c: {  	[sflag:s22] =	ssyncset.done $0x0  }
0x6d: {  	[sflag:s22] =	ssyncadd.s32 $0xFFFF3000  }
0x6e: {  	[tilespmem:s17], [sflag:$0x2] =	stream.indirect.gather [hbm4b:s3+s15], $0x20, s28, s15, $0xb8;
	[tilespmem:$0x1D400] =	vst v63  }
0x6f: {  	_ =	swait.ge [sflag:s18], $0xD000  }
0x70: {  	[sflag:s18] =	ssyncset.done $0x0  }
0x71: {  	[sflag:s18] =	ssyncadd.s32 $0xFFFF3000  }
0x72: {  	[hbm4b:s11+s2] =	stream.linear.scatter [tilespmem:s16], [sflag:$0x3], $0xD000, $0x38;
	[tilespmem:$0x1D400] =	vst v63  }
0x73: {  	_ =	swait.ge [sflag:s21], $0xD000  }
0x74: {  	[sflag:s21] =	ssyncset.done $0x0  }
0x75: {  	s29 =	sadd.s32 $0x1, s29;
	[sflag:s21] =	ssyncadd.s32 $0xFFFF3000  }
0x76: {  	[hbm4b:s12+s2] =	stream.linear.scatter [tilespmem:s17], [sflag:$0x4], $0xD000, $0x38;
	[tilespmem:$0x1D400] =	vst v63  }
0x77: {  	p0 =	sne.s32 s29, s13;
	_ =	swait.ge [sflag:s19], $0xD000  }
.Ltmp1:
0x78: {  	[sflag:s19] =	ssyncset.done $0x0;
	(pc) =	sbr.rel @p0 .LBB2_1-.Ltmp1, $4  }
0x79: {  	[sflag:s19] =	ssyncadd.s32 $0xFFFF3000  }
0x7a: {  	_ =	swait.ge [sflag:s22], $0xD000  }
0x7b: {  	[sflag:s22] =	ssyncset.done $0x0  }
0x7c: {  	[sflag:s22] =	ssyncadd.s32 $0xFFFF3000  }
0x7d: {  	_ =	sfence.sel $0x180000  }
0x7e: {  	[bflag:$0x0] =	sbarrier.arrive $0xFFFF  }
0x7f: {  	_ =	strace $0x90000047  }
0x80: {  	s0 =	stileid.u32;
	[bflag:$0x2] =	sbarrier.arrive $0xFFFF  }
0x81: {  	p0 =	sne.s32 s0, $0x0;
	s0 =	rddreg [dreg:$0x2]  }
0x82: {  	s0 =	sadd.s32 @!p0 $0x100000, s0  }
0x83: {  	[sflag:s0] =	ssyncadd.tile.s32 @!p0 $0x1;
	_ =	shalt  }
.Lfunc_end2:
_tile_overlayer_lowered:
.L_overlay_start_2:
0x84: {  	(tag) =	ssettag $0x2  }
0x85: {  	s0 =	rddreg [dreg:$0x0];
	s2 =	stileid.u32  }
0x86: {  	s1 =	rddreg [dreg:$0x1];
	p0 =	sne.s32 s2, $0x0  }
0x87: {  	s3 =	rddreg [dreg:$0x2];
	[bflag:$0x3] =	sbarrier.arrive $0xFFFF;
	s2 =	simm.s32 @!p0 $0x1C05  }
0x88: {  	[timem:s3], [sflag:s2] =	dma.local @!p0 [hbm:s0], s1  }
0x89: {  	s0 =	simm.s32 @!p0 $0x5  }
0x8a: {  	_ =	swait.ge @!p0 [sflag:s0], s1  }
0x8b: {  	s1 =	ssub.s32 @!p0 $0x0, s1;
	[sflag:s0] =	ssyncset.done @!p0 $0x0  }
0x8c: {  	[sflag:s0] =	ssyncadd.s32 @!p0 s1  }
0x8d: {  	[bflag:$0x3] =	sbarrier.arrive $0xFFFF  }
0x8e: {  	_ =	shalt  }

// kernel: sparse-core-data-format-call.cloned.1.call-start
scs
called_computation_lowered:
.L_overlay_start_0:
0x0: {  	s2 =	sld [smem:$0x3FD9]  }
0x1: {  	s3 =	sld [smem:$0x3FFE];
	_ =	sdelay $0x1  }
0x2: {  	s1 =	srdreg.scid  }
0x3: {  	s0 =	sand.u32 $0x1, s1  }
0x4: {  	s18 =	sshll.u32 s0, $0xA;
	s2 =	sadd.s32 s3, s2  }
0x5: {  	s2 =	sadd.s32 s2, s18  }
0x6: {  	[smem:$0x3FC6] =	sst s2  }
0x7: {  	_ = 	snop  }
0x8: {  	s2 =	sld [smem:$0x3FD0];
	(tm) =	ssettm $0x1  }
0x9: {  	s19 =	sld [smem:$0x3FFB];
	_ =	sdelay $0x3  }
0xa: {  	_ =	strace s19  }
0xb: {  	s3 =	sld [smem:$0x3FFC];
	_ =	sdelay $0x3  }
0xc: {  	_ =	strace s3  }
0xd: {  	s3 =	sld [smem:$0x3FFD];
	_ =	sdelay $0x3  }
0xe: {  	_ =	strace s3  }
0xf: {  	_ =	strace $0x8FFFFFFF  }
0x10: {  	s20 =	sld [smem:$0x3FDB];
	_ =	sdelay $0x1  }
0x11: {  	s4 =	simm.s32 $_scs_section_size  }
0x12: {  	s5 =	simm.s32 $_size__tile_overlayer_lowered;
	s6 =	simm.s32 $_tile_overlayer_lowered  }
0x13: {  	s23 =	simm.s32 $0x1BFF;
	s22 =	sshll.u32 s6, $0x1;
	s3 =	sadd.s32 s4, s20  }
0x14: {  	s7 =	simm.s32 $0x0;
	s21 =	sshll.u32 s5, $0x1;
	s5 =	sadd.s32 s22, s3  }
0x15: {  	[timem:s7], [sflag:s23] =	dma.local [hbm:s5], s21  }
0x16: {  	_ =	swait.ge [sflag:s23], s21  }
0x17: {  	s4 =	ssub.s32 $0x0, s21;
	[sflag:s23] =	ssyncset.done $0x0  }
0x18: {  	[sflag:s23] =	ssyncadd.s32 s4;
	_ =	sdelay $0x1  }
0x19: {  	s24 =	simm.s32 $0x1B8B  }
0x1a: {  	_ =	swait.ge [sflag:s24], $0x1  }
0x1b: {  	[sflag:s24] =	ssyncset.done $0x0  }
0x1c: {  	s26 =	simm.s32 $0x1B8E;
	s25 =	sld [smem:$0x3FFE];
	[sflag:s24] =	ssyncadd.s32 $0xFFFFFFFF  }
0x1d: {  	s27 =	simm.s32 $execute0_lowered;
	[smem:$0x3FD2] =	sst s26  }
0x1e: {  	s5 =	sshll.u32 s27, $0x1;
	_ =	strace $0x80000049;
	[dreg:$0x1] =	wrdreg $0xFFFFFFFF  }
0x1f: {  	s28 =	simm.s32 $_size_execute0_lowered;
	s3 =	sadd.s32 s3, s5;
	[dreg:$0x0] =	wrdreg $0x0  }
0x20: {  	s5 =	sshll.u32 s28, $0x1;
	[dreg:$0x2] =	wrdreg s3  }
0x21: {  	[dreg:$0x3] =	wrdreg s5  }
0x22: {  	[dreg:$0x4] =	wrdreg $0xC0  }
0x23: {  	_ =	task [dreg:s7], $0x5FFFF  }
0x24: {  	[dreg:$0x1] =	wrdreg $0xFFFFFFFF  }
0x25: {  	[dreg:$0x0] =	wrdreg $0x60  }
0x26: {  	[dreg:$0x2] =	wrdreg s25  }
0x27: {  	[dreg:$0x3] =	wrdreg s2  }
0x28: {  	[dreg:$0x4] =	wrdreg $0x9  }
0x29: {  	_ =	task.clear_ibuf [dreg:s7], $0x5FFFF;
	_ =	strace $0x90000049  }
0x2a: {  	s29 =	simm.s32 $0x9;
	_ =	strace $0x8000004B  }
0x2b: {  	_ =	swait.ge [sflag:s29], $0x1  }
0x2c: {  	[sflag:s29] =	ssyncadd.s32 $0xFFFFFFFF  }
0x2d: {  	_ =	strace $0x9000004B  }
0x2e: {  	_ =	sfence  }
0x2f: {  	s30 =	sld [smem:$0x0];
	_ =	sdelay $0x2  }
0x30: {  	s31 =	sshll.u32 s1, $0xD;
	s1 =	sshrl.u32 s1, $0x2  }
0x31: {  	s3 =	sand.u32 $0x4000, s31;
	s1 =	sadd.s32 s1, s30  }
0x32: {  	s0 =	sor.u32 s3, s0;
	s1 =	sshll.u32 s1, $0x11  }
0x33: {  	s0 =	sor.u32 s1, s0  }
0x34: {  	s0 =	sadd.s32 $0x8F2B, s0  }
0x35: {  	[sflag:s0] =	ssyncadd.remote.s32 $0x1  }
0x36: {  	_ =	sfence.sel $0xFFFF  }
0x37: {  	[dreg:$0x0] =	wrdreg $0xFFFFFFFF;
	(pc) =	sbr.abs _section_cstart, $3  }
0x38: {  	[dreg:$0x1] =	wrdreg $0xFFFFFFFF  }
0x39: {  	_ =	task.clear_ibuf [dreg:s7], $0x2FFFF;
	_ =	strace $0x9FFFFFFF  }
0x3a: {  	(tm) =	ssettm $0x7FFFFFFF  }
0x3b: {  	_ =	shalt  }
tec
execute0_lowered:
.L_overlay_start_1:
0x0: {  	(tag) =	ssettag $0x1  }
0x1: {  	s0 =	srdreg.scid  }
0x2: {  	s1 =	sshll.u32 s0, $0x4  }
0x3: {  	s0 =	stileid.u32;
	s1 =	sand.u32 $0x10, s1  }
0x4: {  	s7 =	rddreg [dreg:$0x0];
	s1 =	sor.u32 s0, s1  }
0x5: {  	s4 =	simm.s32 $0x1;
	s8 =	simm.s32 $0x2;
	s2 =	sshll.u32 s1, $0x7  }
0x6: {  	s13 =	simm.s32 $0x0;
	s9 =	simm.s32 $0x20000;
	s1 =	ssub.s32 $0x4000, s2  }
0x7: {  	s14 =	simm.s32 $0x0;
	s11 =	simm.s32 $0x0;
	s3 =	sand.u32 $0xF80, s1  }
0x8: {  	s12 =	simm.s32 $0x0;
	s5 =	sshrl.u32 s1, $0xC;
	p0 =	sne.s32 s3, $0x0  }
.Ltmp0:
0x9: {  	s1 =	rddreg [dreg:$0x2];
	s4 =	simm.s32 @!p0 $0x0;
	(pc) =	sbr.rel .LBB1_1-.Ltmp0, $4  }
0xa: {  	s6 =	sadd.s32 $0x800, s7;
	s3 =	rddreg [dreg:$0x1];
	s5 =	sadd.s32 s4, s5  }
0xb: {  	_ =	strace $0x8000004A;
	s4 =	simm.s32 $0x1;
	s5 =	smul.u32 $0xD, s5  }
0xc: {  	s7 =	sadd.s32 $0x40800, s7;
	s10 =	smov.u32 s2;
	[sflag:s4] =	ssyncpa.u1 $0x0  }
0xd: {  	p0 =	por $0x0, $0x0;
	[sflag:s8] =	ssyncpa.u1 $0x0;
	s8 =	sadd.s32 $0x1, s5  }
.LBB1_7:
0xe: {  	s15 =	sadd.s32 $0x1000, s10  }
0xf: {  	s13 =	sadd.s32 $0x2, s11;
	s17 =	smov.u32 s11;
	p2 =	sgt.s32 s15, $0x3FFF  }
0x10: {  	s17 =	smov.u32 @p2 s13  }
0x11: {  	s15 =	smov.u32 @p2 s2;
	p2 =	sgt.s32 s17, $0x19  }
0x12: {  	s17 =	simm.s32 @p2 $0x0;
	p2 =	sne.s32 s12, s8  }
.Ltmp1:
0x13: {  	p1 =	slt.u32 s12, $0x2;
	(pc) =	sbr.rel @!p2 .LBB1_8-.Ltmp1, $4  }
0x14: {  	s16 =	simm.s32 @!p1 $0x2  }
0x15: {  	s14 =	smov.u32 s11;
	p0 =	por !p0, !p0;
	_ =	swait.ge @!p1 [sflag:s16], $0x2000  }
0x16: {  	s13 =	smov.u32 s10;
	[sflag:s16] =	ssyncset.done @!p1 $0x0;
	s10 =	smov.u32 s15  }
0x17: {  	s12 =	sadd.s32 $0x1, s12;
	[sflag:s16] =	ssyncadd.s32 @!p1 $0xFFFFE000;
	s11 =	smov.u32 s17  }
.LBB1_1:
0x18: {  	p1 =	sge.u32 s12, s5  }
0x19: {  	s15 =	sxor.u32 @!p1 $0xFFFFFFFF, s12;
	s16 =	sshll.u32 @!p1 s11, $0x12  }
0x1a: {  	s17 =	sshll.u32 @!p1 s10, $0x4;
	s19 =	simm.s32 @!p1 $0x20;
	s20 =	simm.s32 @!p1 $0x80  }
0x1b: {  	s15 =	sshll.u32 @!p1 s15, $0xD;
	s17 =	sand.u32 @!p1 $0x3FFF0, s17;
	s18 =	sadd.s32 @!p1 s6, s16  }
0x1c: {  	s16 =	sadd.s32 @!p1 s16, s7;
	s15 =	sand.u32 @!p1 $0x2000, s15;
	s18 =	sadd.s32 @!p1 s17, s18  }
0x1d: {  	[tilespmem:s15], [sflag:$0x1] =	stream.strided.gather @!p1 [hbm4b:s18+s19], $0x1000, s20, s19, $0x38;
	[tilespmem:$0x8080] =	vst v63  }
0x1e: {  	s31 =	sadd.s32 $0xFFFFFFFF, s12;
	s16 =	sadd.s32 @!p1 s17, s16;
	s15 =	sor.u32 @!p1 $0x1000, s15  }
0x1f: {  	[tilespmem:s15], [sflag:$0x1] =	stream.strided.gather @!p1 [hbm4b:s16+s19], $0x1000, s20, s19, $0x38;
	[tilespmem:$0x8080] =	vst v63  }
0x20: {  	p1 =	sge.u32 s31, s5  }
.Ltmp2:
0x21: {  	_ = 	snop;
	(pc) =	sbr.rel @p1 .LBB1_7-.Ltmp2, $1  }
0x22: {  	_ =	sdelay $0x3  }
0x23: {  	s15 =	simm.s32 $0x1;
	s17 =	sand.u32 $0x1, s12  }
0x24: {  	_ =	swait.ge [sflag:s4], $0x2000;
	s15 =	simm.s32 @!p0 $0x0;
	s17 =	smul.u32 $0x8100, s17  }
0x25: {  	p2 =	por $0x1, $0x1;
	[sflag:s4] =	ssyncset.done $0x0;
	s16 =	smul.u32 $0x8100, s15  }
0x26: {  	s18 =	sshll.u32 s15, $0xF;
	[sflag:s4] =	ssyncadd.s32 $0xFFFFE000;
	s30 =	sshrl.u32 s17, $0x2  }
0x27: {  	s31 =	sshrl.u32 s18, $0x2;
	s18 =	simm.s32 $0x0;
	s16 =	sshrl.u32 s16, $0x2  }
0x28: {  	s15 =	sor.u32 $0x4000, s30;
	s17 =	sadd.s32 $0x10, s31;
	s16 =	sor.u32 $0x4000, s16  }
.LBB1_3:
0x29: {  	s19 =	sshll.u32 s18, $0xC  }
0x2a: {  	s19 =	sand.u32 $0x3FFFF000, s19  }
0x2b: {  	s20 =	sadd.s32 s19, s17  }
0x2c: {  	s31 =	smul.u32 $0x4080, s18;
	v1 =	vld [tilespmem:s20+$0x0]  }
0x2d: {  	v0 =	vld [tilespmem:s20+$0xFFFFFFF0]  }
0x2e: {  	s18 =	sshra.s32 s31, $0x2  }
0x2f: {  	s18 =	sadd.s32 s18, s16  }
0x30: {  	s21 =	sadd.s32 $0x0, s18  }
0x31: {  	p1 =	por p2, p2;
	s19 =	simm.s32 $0x4;
	s20 =	sadd.s32 $0x20, s20;
	[tilespmem:s21+$0x810 ss:$0x81] =	vst.msk $0xffff, v1  }
.LBB1_4:
0x32: {  	v1 =	vld [tilespmem:s20+$0x0];
	p2 =	sne.s32 s19, $0x1FC;
	[tilespmem:s21+$0x0 ss:$0x81] =	vst.msk $0xffff, v0;
	s21 =	smov.u32 s19;
	s19 =	sadd.s32 $0x4, s19  }
.Ltmp3:
0x33: {  	v0 =	vld [tilespmem:s20+$0xFFFFFFF0];
	(pc) =	sbr.rel @p2 .LBB1_4-.Ltmp3, $4  }
0x34: {  	_ = 	snop  }
0x35: {  	s21 =	sshra.s32 s21, $0x2  }
0x36: {  	s21 =	sadd.s32 s21, s18  }
0x37: {  	s20 =	sadd.s32 $0x20, s20;
	[tilespmem:s21+$0x810 ss:$0x81] =	vst.msk $0xffff, v1  }
.Ltmp4:
0x38: {  	(pc) =	sbr.rel @p1 .LBB1_3-.Ltmp4, $2  }
0x39: {  	_ =	sdelay $0x2  }
0x3a: {  	[tilespmem:s21+$0x0 ss:$0x81] =	vst.msk $0xffff, v0;
	s18 =	simm.s32 $0x1;
	p2 =	por $0x0, $0x0  }
0x3b: {  	s16 =	sshll.u32 s13, $0x3;
	s17 =	sand.u32 $0x78, s13;
	s14 =	sshll.u32 s14, $0x10  }
.Ltmp5:
0x3c: {  	s30 =	sand.u32 $0xF800, s13;
	s16 =	sand.u32 $0x3C00, s16;
	(pc) =	sbr.rel .LBB1_7-.Ltmp5, $4  }
0x3d: {  	s31 =	sand.u32 $0x7, s13;
	s14 =	sadd.s32 s3, s14;
	s16 =	sor.u32 s17, s16  }
0x3e: {  	s13 =	sshll.u32 s31, $0x12;
	s14 =	sadd.s32 s30, s14;
	s16 =	sshrl.u32 s16, $0x3  }
0x3f: {  	s13 =	sor.u32 $0x400, s13;
	s14 =	sadd.s32 s16, s14  }
0x40: {  	[hbm4b:s14+s13] =	stream.strided.scatter [tilespmem:s15], [sflag:$0x2], $0x2000, s9, s13, $0x20;
	[tilespmem:$0x8080] =	vst v63  }
.LBB1_8:
0x41: {  	_ =	sfence.sel $0x180000  }
0x42: {  	s2 =	simm.s32 $0x1;
	[bflag:$0x0] =	sbarrier.arrive $0xFFFF  }
0x43: {  	s31 =	simm.s32 $0x2;
	[sflag:s2] =	ssyncpa.u1 $0x1  }
0x44: {  	[sflag:s31] =	ssyncpa.u1 $0x1  }
0x45: {  	p0 =	sne.s32 s0, $0x0;
	_ =	strace $0x9000004A  }
0x46: {  	s0 =	sadd.s32 @!p0 $0x100000, s1;
	[bflag:$0x2] =	sbarrier.arrive $0xFFFF  }
0x47: {  	[sflag:s0] =	ssyncadd.tile.s32 @!p0 $0x1;
	_ =	shalt  }
.Lfunc_end1:
_tile_overlayer_lowered:
.L_overlay_start_2:
0x48: {  	(tag) =	ssettag $0x2  }
0x49: {  	s0 =	rddreg [dreg:$0x0];
	s2 =	stileid.u32  }
0x4a: {  	s1 =	rddreg [dreg:$0x1];
	p0 =	sne.s32 s2, $0x0  }
0x4b: {  	s3 =	rddreg [dreg:$0x2];
	[bflag:$0x3] =	sbarrier.arrive $0xFFFF;
	s2 =	simm.s32 @!p0 $0x1C01  }
0x4c: {  	[timem:s3], [sflag:s2] =	dma.local @!p0 [hbm:s0], s1  }
0x4d: {  	s0 =	simm.s32 @!p0 $0x1  }
0x4e: {  	_ =	swait.ge @!p0 [sflag:s0], s1  }
0x4f: {  	s1 =	ssub.s32 @!p0 $0x0, s1;
	[sflag:s0] =	ssyncset.done @!p0 $0x0  }
0x50: {  	[sflag:s0] =	ssyncadd.s32 @!p0 s1  }
0x51: {  	[bflag:$0x3] =	sbarrier.arrive $0xFFFF  }
0x52: {  	_ =	shalt  }

</sc_bundles>
